<compile_context>
chip_gen: v7x
topology: tpu7x:2x2x1
jax: 0.10.2.dev20260603
libtpu: 0.0.44.dev20260713+nightly
codegen_flags: <defaults>
</compile_context>

<pallas_src>
import functools

import jax
import jax.numpy as jnp
from jax import lax
from jax.experimental import pallas as pl
from jax.experimental.pallas import tpu as pltpu
from jax.experimental.pallas import tpu_sc as plsc

VOCAB = 256
POS = 512
D = 768
B = 1024
L = 200

NC = 2
NS = 16
NW = NC * NS

TOTAL = B * L
B_SC = 384
B_TC = B - B_SC
SC_TOTAL = B_SC * L
PER_W = SC_TOTAL // NW
K = 40
NCHUNK = PER_W // K
NBUF = 4


LBLK = 8
NLBLK = L // LBLK
PADV = 512


def _table_body(p_blk_ref, w_ref, b_ref, e_ref, t_ref, peb_ref, pp_ref,
                pe_ref):
    i = pl.program_id(0)
    contract = (((1,), (1,)), ((), ()))

    @pl.when(i == 0)
    def _():
        pe_ref[...] = lax.dot_general(
            e_ref[...], w_ref[...], contract,
            preferred_element_type=jnp.float32)
        peb_ref[...] = pe_ref[...].astype(jnp.bfloat16)

    pp = lax.dot_general(
        p_blk_ref[...], w_ref[...], contract,
        preferred_element_type=jnp.float32) + b_ref[...]
    t_ref[...] = pe_ref[...][None, :, :] + pp[:, None, :]
    pp_ref[...] = pp


def _build_table(pos_table, W, b2, embed_table):
    return pl.pallas_call(
        _table_body,
        grid=(NLBLK,),
        in_specs=[
            pl.BlockSpec((LBLK, D), lambda i: (i, 0)),
            pl.BlockSpec((D, D), lambda i: (0, 0)),
            pl.BlockSpec((1, D), lambda i: (0, 0)),
            pl.BlockSpec((VOCAB, D), lambda i: (0, 0)),
        ],
        out_specs=[
            pl.BlockSpec((LBLK, VOCAB, D), lambda i: (i, 0, 0)),
            pl.BlockSpec((VOCAB, D), lambda i: (0, 0)),
            pl.BlockSpec((LBLK, D), lambda i: (i, 0)),
        ],
        out_shape=[
            jax.ShapeDtypeStruct((L, VOCAB, D), jnp.float32),
            jax.ShapeDtypeStruct((VOCAB, D), jnp.bfloat16),
            jax.ShapeDtypeStruct((L, D), jnp.float32),
        ],
        scratch_shapes=[pltpu.VMEM((VOCAB, D), jnp.float32)],
    )(pos_table, W, b2, embed_table)


TBLK = 16


def _onehot_body(ids_ref, pe_ref, pp_ref, alias_ref, out_ref):
    del alias_ref
    ids3 = ids_ref[...]
    col = lax.broadcasted_iota(jnp.int32, (TBLK, L, VOCAB), 2)
    oh = (col == ids3[:, :, None]).astype(jnp.bfloat16).reshape(
        TBLK * L, VOCAB)
    acc = lax.dot_general(
        oh, pe_ref[...], (((1,), (0,)), ((), ())),
        preferred_element_type=jnp.float32)
    acc = acc.reshape(TBLK, L, D) + pp_ref[...][None]
    out_ref[...] = acc.reshape(TBLK * L, D)


def _onehot_fill(ids, pe_b, pp, out_sc):
    return pl.pallas_call(
        _onehot_body,
        grid=(B_TC // TBLK,),
        in_specs=[
            pl.BlockSpec((TBLK, L), lambda i: (B_SC // TBLK + i, 0)),
            pl.BlockSpec((VOCAB, D), lambda i: (0, 0)),
            pl.BlockSpec((L, D), lambda i: (0, 0)),
            pl.BlockSpec(memory_space=pltpu.MemorySpace.HBM),
        ],
        out_specs=pl.BlockSpec((TBLK * L, D), lambda i: (B_SC // TBLK + i, 0)),
        out_shape=jax.ShapeDtypeStruct((TOTAL, D), jnp.float32),
        input_output_aliases={3: 0},
    )(ids, pe_b, pp, out_sc)


def _gather_body(table_hbm, idx_hbm, out_hbm, idx_all, *bufs):
    rows = bufs[:NBUF]
    gsem = bufs[NBUF:2 * NBUF]
    ssem = bufs[2 * NBUF:3 * NBUF]
    wid = lax.axis_index("s") * NC + lax.axis_index("c")
    base = wid * PER_W

    pltpu.sync_copy(idx_hbm.at[pl.ds(base, PER_W)], idx_all)

    def g_issue(i, b):
        pltpu.async_copy(
            table_hbm.at[idx_all.at[pl.ds(i * K, K)]], rows[b], gsem[b])

    def g_wait(i, b):
        pltpu.make_async_copy(
            table_hbm.at[idx_all.at[pl.ds(i * K, K)]], rows[b],
            gsem[b]).wait()

    def s_issue(i, b):
        pltpu.async_copy(rows[b], out_hbm.at[pl.ds(base + i * K, K)],
                         ssem[b])

    def s_wait(i, b):
        pltpu.make_async_copy(rows[b], out_hbm.at[pl.ds(base + i * K, K)],
                              ssem[b]).wait()

    g_issue(0, 0)
    g_issue(1, 1)

    def quad(j, _):
        for r in range(NBUF):
            i = NBUF * j + r

            @pl.when(i + 2 < NCHUNK)
            def _():
                @pl.when(i >= 2)
                def _():
                    s_wait(i - 2, (r + 2) % NBUF)
                g_issue(i + 2, (r + 2) % NBUF)

            g_wait(i, r)
            s_issue(i, r)
        return 0

    lax.fori_loop(0, NCHUNK // NBUF, quad, 0)
    for t in range(NBUF):
        i = NCHUNK - NBUF + t
        s_wait(i, i % NBUF)


@functools.cache
def _gather_rows():
    return pl.kernel(
        _gather_body,
        out_type=jax.ShapeDtypeStruct((TOTAL, D), jnp.float32),
        mesh=plsc.VectorSubcoreMesh(
            core_axis_name="c", subcore_axis_name="s",
            num_cores=NC, num_subcores=NS),
        scratch_types=[
            pltpu.VMEM((PER_W,), jnp.int32),
            *[pltpu.VMEM((K, D), jnp.float32) for _ in range(NBUF)],
            *[pltpu.SemaphoreType.DMA for _ in range(2 * NBUF)],
        ],
    )


@jax.jit
def kernel(char_ids, embed_table, pos_table, W, b):
    table, pe_b, pp = _build_table(
        pos_table[:L], W, b.reshape(1, D), embed_table)
    table = table.reshape(L * VOCAB, D)
    ids = char_ids.astype(jnp.int32)
    flat_idx = (
        ids[:B_SC] + (jnp.arange(L, dtype=jnp.int32) * VOCAB)[None, :]
    ).reshape(-1)
    out_sc = _gather_rows()(table, flat_idx)
    out = _onehot_fill(ids, pe_b, pp, out_sc)
    return out.reshape(B, L, D)

# --- scband reference (transcript-rebuilt; emitter-appended) ---
"""Pipeline reference for scband-simple-embedder-74586402063016 (READ-ONLY COPY).

The authoritative reference and input builder live on the scoring server;
editing this copy changes nothing except your own understanding.
"""

import jax, jax.numpy as jnp
import numpy as np

VOCAB = 256
POS = 512
D = 768
B = 1024
L = 200

def setup_inputs(seed: int = 0) -> dict:
    key = jax.random.key(seed)
    k1, k2, k3, k4, k5 = jax.random.split(key, 5)
    char_ids = jax.random.randint(k1, (B, L), 0, VOCAB, dtype=jnp.int64 if jax.config.jax_enable_x64 else jnp.int32)
    embed_table = jax.random.normal(k2, (VOCAB, D), dtype=jnp.float32) * 0.02
    pos_table = jax.random.normal(k3, (POS, D), dtype=jnp.float32) * 0.02
    W = jax.random.normal(k4, (D, D), dtype=jnp.float32) * (1.0 / np.sqrt(D))
    b = jax.random.normal(k5, (D,), dtype=jnp.float32) * 0.01
    return {"char_ids": char_ids, "embed_table": embed_table, "pos_table": pos_table, "W": W, "b": b}

def reference(char_ids, embed_table, pos_table, W, b):
    # char_ids: [B, L] int; values in [0, 256)
    L_ = char_ids.shape[1]
    positions = jnp.arange(L_)  # [L]
    tok_emb = jnp.take(embed_table, char_ids, axis=0)            # [B, L, D]
    pos_emb = jnp.take(pos_table, positions, axis=0)[None, :, :]  # [1, L, D]
    embeddings = tok_emb + pos_emb
    # nn.Linear: x @ W.T + b
    out = jnp.einsum('bld,ed->ble', embeddings, W) + b
    return out

if __name__ == "__main__":
    import jax
    _d = setup_inputs()
    print(jax.jit(kernel)(*tuple(_d.values())))

</pallas_src>

<mosaic_0001>
#map = affine_map<(d0, d1) -> (0, 0)>
#map1 = affine_map<(d0, d1) -> (0)>
module attributes {stable_mosaic.version = 14 : i64} {
  func.func @_gather_body(%arg0: i32, %arg1: i32, %arg2: memref<51200x768xf32, #tpu.memory_space<hbm>>, %arg3: memref<76800xi32, #tpu.memory_space<hbm>>, %arg4: memref<204800x768xf32, #tpu.memory_space<hbm>>, %arg5: memref<2400xi32, #tpu.memory_space<vmem>>, %arg6: memref<40x768xf32, #tpu.memory_space<vmem>>, %arg7: memref<40x768xf32, #tpu.memory_space<vmem>>, %arg8: memref<40x768xf32, #tpu.memory_space<vmem>>, %arg9: memref<40x768xf32, #tpu.memory_space<vmem>>, %arg10: memref<!tpu.dma_semaphore, #tpu.memory_space<semaphore_mem>>, %arg11: memref<!tpu.dma_semaphore, #tpu.memory_space<semaphore_mem>>, %arg12: memref<!tpu.dma_semaphore, #tpu.memory_space<semaphore_mem>>, %arg13: memref<!tpu.dma_semaphore, #tpu.memory_space<semaphore_mem>>, %arg14: memref<!tpu.dma_semaphore, #tpu.memory_space<semaphore_mem>>, %arg15: memref<!tpu.dma_semaphore, #tpu.memory_space<semaphore_mem>>, %arg16: memref<!tpu.dma_semaphore, #tpu.memory_space<semaphore_mem>>, %arg17: memref<!tpu.dma_semaphore, #tpu.memory_space<semaphore_mem>>) attributes {dimension_semantics = [#tpu.dimension_semantics<core_parallel>, #tpu.dimension_semantics<subcore_parallel>], iteration_bounds = array<i64: 2, 16>, scalar_prefetch = 0 : i64, scratch_operands = 13 : i64, tpu.core_type = #tpu.core_type<sc_vector_subcore>, window_params = [{transform_indices = #map}, {transform_indices = #map1}, {transform_indices = #map}]} {
    %mul3A = arith.constant 2 : i32
    %mul3A_0 = arith.muli %arg1, %mul3A : i32
    %add3A = arith.addi %mul3A_0, %arg0 : i32
    %mul3A_1 = arith.constant 2400 : i32
    %mul3A_2 = arith.muli %add3A, %mul3A_1 : i32
    "tpu.region"() ({
      %run_scoped3A = tpu.sem_alloc : memref<!tpu.dma_semaphore, #tpu.memory_space<semaphore_mem>>
      %dma_start3A_41 = tpu.memref_slice %arg3[%mul3A_2] : memref<76800xi32, #tpu.memory_space<hbm>> -> memref<2400xi32, #tpu.memory_space<hbm>>
      %dma_start3A_42 = tpu.memref_slice %arg3[%mul3A_2] : memref<76800xi32, #tpu.memory_space<hbm>> -> memref<2400xi32, #tpu.memory_space<hbm>>
      tpu.enqueue_dma source(%dma_start3A_42 : memref<2400xi32, #tpu.memory_space<hbm>>) target(%arg5 : memref<2400xi32, #tpu.memory_space<vmem>>) target_semaphore(%run_scoped3A : memref<!tpu.dma_semaphore, #tpu.memory_space<semaphore_mem>>)
      %dma_wait3A_43 = tpu.memref_slice %arg3[%mul3A_2] : memref<76800xi32, #tpu.memory_space<hbm>> -> memref<2400xi32, #tpu.memory_space<hbm>>
      %dma_wait3A_44 = tpu.memref_slice %arg3[%mul3A_2] : memref<76800xi32, #tpu.memory_space<hbm>> -> memref<2400xi32, #tpu.memory_space<hbm>>
      tpu.wait_dma2 semaphore(%run_scoped3A : memref<!tpu.dma_semaphore, #tpu.memory_space<semaphore_mem>>) src(%dma_wait3A_44 : memref<2400xi32, #tpu.memory_space<hbm>>) dst(%arg5 : memref<2400xi32, #tpu.memory_space<vmem>>)
      tpu.yield
    }) : () -> ()
    %dma_start3A = arith.constant 0 : i32
    %dma_start3A_3 = tpu.memref_slice %arg5[%dma_start3A] : memref<2400xi32, #tpu.memory_space<vmem>> -> memref<40xi32, #tpu.memory_space<vmem>>
    %dma_start3A_4 = arith.constant 0 : i32
    %dma_start3A_5 = arith.constant 0 : i32
    %dma_start3A_6 = tpu.memref_slice %arg2[%dma_start3A_4, %dma_start3A_5] : memref<51200x768xf32, #tpu.memory_space<hbm>> -> memref<51200x768xf32, #tpu.memory_space<hbm>>
    tpu.enqueue_indirect_dma source(%dma_start3A_6 : memref<51200x768xf32, #tpu.memory_space<hbm>>) target(%arg6 : memref<40x768xf32, #tpu.memory_space<vmem>>) offsets(%dma_start3A_3 : memref<40xi32, #tpu.memory_space<vmem>>) semaphore(%arg10 : memref<!tpu.dma_semaphore, #tpu.memory_space<semaphore_mem>>)
    %dma_start3A_7 = arith.constant 40 : i32
    %dma_start3A_8 = tpu.memref_slice %arg5[%dma_start3A_7] : memref<2400xi32, #tpu.memory_space<vmem>> -> memref<40xi32, #tpu.memory_space<vmem>>
    %dma_start3A_9 = arith.constant 0 : i32
    %dma_start3A_10 = arith.constant 0 : i32
    %dma_start3A_11 = tpu.memref_slice %arg2[%dma_start3A_9, %dma_start3A_10] : memref<51200x768xf32, #tpu.memory_space<hbm>> -> memref<51200x768xf32, #tpu.memory_space<hbm>>
    tpu.enqueue_indirect_dma source(%dma_start3A_11 : memref<51200x768xf32, #tpu.memory_space<hbm>>) target(%arg7 : memref<40x768xf32, #tpu.memory_space<vmem>>) offsets(%dma_start3A_8 : memref<40xi32, #tpu.memory_space<vmem>>) semaphore(%arg11 : memref<!tpu.dma_semaphore, #tpu.memory_space<semaphore_mem>>)
    %scan3A = arith.constant 0 : i32
    %scan3A_12 = arith.constant 0 : i32
    %scan3A_13 = arith.constant 15 : i32
    %scan3A_14 = arith.addi %scan3A_12, %scan3A_13 : i32
    %scan3A_15 = arith.constant 1 : i32
    %scan3A_16 = scf.for %scan3A_41 = %scan3A_12 to %scan3A_14 step %scan3A_15 iter_args(%scan3A_42 = %scan3A) -> (i32)  : i32 {
      %mul3A_43 = arith.constant 4 : i32
      %mul3A_44 = arith.muli %mul3A_43, %scan3A_41 : i32
      %add3A_45 = arith.constant 0 : i32
      %add3A_46 = arith.addi %mul3A_44, %add3A_45 : i32
      %add3A_47 = arith.constant 2 : i32
      %add3A_48 = arith.addi %add3A_46, %add3A_47 : i32
      %lt3A = arith.constant 60 : i32
      %lt3A_49 = arith.cmpi slt, %add3A_48, %lt3A : i32
      %convert_element_type3A = arith.extui %lt3A_49 : i1 to i32
      %cond3A = arith.constant 0 : i32
      %cond3A_50 = arith.cmpi ne, %convert_element_type3A, %cond3A : i32
      scf.if %cond3A_50 {
        %ge3A = arith.constant 2 : i32
        %ge3A_137 = arith.cmpi sge, %add3A_46, %ge3A : i32
        %convert_element_type3A_138 = arith.extui %ge3A_137 : i1 to i32
        %cond3A_139 = arith.constant 0 : i32
        %cond3A_140 = arith.cmpi ne, %convert_element_type3A_138, %cond3A_139 : i32
        scf.if %cond3A_140 {
          %sub3A = arith.constant 2 : i32
          %sub3A_149 = arith.subi %add3A_46, %sub3A : i32
          %mul3A_150 = arith.constant 40 : i32
          %mul3A_151 = arith.muli %sub3A_149, %mul3A_150 : i32
          %add3A_152 = arith.addi %mul3A_2, %mul3A_151 : i32
          %dma_wait3A_153 = arith.constant 0 : i32
          %dma_wait3A_154 = tpu.memref_slice %arg4[%add3A_152, %dma_wait3A_153] : memref<204800x768xf32, #tpu.memory_space<hbm>> -> memref<40x768xf32, #tpu.memory_space<hbm>>
          %dma_wait3A_155 = arith.constant 0 : i32
          %dma_wait3A_156 = tpu.memref_slice %arg4[%add3A_152, %dma_wait3A_155] : memref<204800x768xf32, #tpu.memory_space<hbm>> -> memref<40x768xf32, #tpu.memory_space<hbm>>
          tpu.wait_dma2 semaphore(%arg16 : memref<!tpu.dma_semaphore, #tpu.memory_space<semaphore_mem>>) src(%arg8 : memref<40x768xf32, #tpu.memory_space<vmem>>) dst(%dma_wait3A_156 : memref<40x768xf32, #tpu.memory_space<hbm>>)
        } else {
        }
        %add3A_141 = arith.constant 2 : i32
        %add3A_142 = arith.addi %add3A_46, %add3A_141 : i32
        %mul3A_143 = arith.constant 40 : i32
        %mul3A_144 = arith.muli %add3A_142, %mul3A_143 : i32
        %dma_start3A_145 = tpu.memref_slice %arg5[%mul3A_144] : memref<2400xi32, #tpu.memory_space<vmem>> -> memref<40xi32, #tpu.memory_space<vmem>>
        %dma_start3A_146 = arith.constant 0 : i32
        %dma_start3A_147 = arith.constant 0 : i32
        %dma_start3A_148 = tpu.memref_slice %arg2[%dma_start3A_146, %dma_start3A_147] : memref<51200x768xf32, #tpu.memory_space<hbm>> -> memref<51200x768xf32, #tpu.memory_space<hbm>>
        tpu.enqueue_indirect_dma source(%dma_start3A_148 : memref<51200x768xf32, #tpu.memory_space<hbm>>) target(%arg8 : memref<40x768xf32, #tpu.memory_space<vmem>>) offsets(%dma_start3A_145 : memref<40xi32, #tpu.memory_space<vmem>>) semaphore(%arg12 : memref<!tpu.dma_semaphore, #tpu.memory_space<semaphore_mem>>)
      } else {
      }
      %mul3A_51 = arith.constant 40 : i32
      %mul3A_52 = arith.muli %add3A_46, %mul3A_51 : i32
      %dma_wait3A_53 = tpu.memref_slice %arg5[%mul3A_52] : memref<2400xi32, #tpu.memory_space<vmem>> -> memref<40xi32, #tpu.memory_space<vmem>>
      %dma_wait3A_54 = arith.constant 0 : i32
      %dma_wait3A_55 = arith.constant 0 : i32
      %dma_wait3A_56 = tpu.memref_slice %arg2[%dma_wait3A_54, %dma_wait3A_55] : memref<51200x768xf32, #tpu.memory_space<hbm>> -> memref<51200x768xf32, #tpu.memory_space<hbm>>
      tpu.wait_indirect_dma semaphore(%arg10 : memref<!tpu.dma_semaphore, #tpu.memory_space<semaphore_mem>>) src(%dma_wait3A_56 : memref<51200x768xf32, #tpu.memory_space<hbm>>) dst(%arg6 : memref<40x768xf32, #tpu.memory_space<vmem>>)
      %mul3A_57 = arith.constant 40 : i32
      %mul3A_58 = arith.muli %add3A_46, %mul3A_57 : i32
      %add3A_59 = arith.addi %mul3A_2, %mul3A_58 : i32
      %dma_start3A_60 = arith.constant 0 : i32
      %dma_start3A_61 = tpu.memref_slice %arg4[%add3A_59, %dma_start3A_60] : memref<204800x768xf32, #tpu.memory_space<hbm>> -> memref<40x768xf32, #tpu.memory_space<hbm>>
      %dma_start3A_62 = arith.constant 0 : i32
      %dma_start3A_63 = tpu.memref_slice %arg4[%add3A_59, %dma_start3A_62] : memref<204800x768xf32, #tpu.memory_space<hbm>> -> memref<40x768xf32, #tpu.memory_space<hbm>>
      tpu.enqueue_dma source(%arg6 : memref<40x768xf32, #tpu.memory_space<vmem>>) target(%dma_start3A_63 : memref<40x768xf32, #tpu.memory_space<hbm>>) target_semaphore(%arg14 : memref<!tpu.dma_semaphore, #tpu.memory_space<semaphore_mem>>)
      %mul3A_64 = arith.constant 4 : i32
      %mul3A_65 = arith.muli %mul3A_64, %scan3A_41 : i32
      %add3A_66 = arith.constant 1 : i32
      %add3A_67 = arith.addi %mul3A_65, %add3A_66 : i32
      %add3A_68 = arith.constant 2 : i32
      %add3A_69 = arith.addi %add3A_67, %add3A_68 : i32
      %lt3A_70 = arith.constant 60 : i32
      %lt3A_71 = arith.cmpi slt, %add3A_69, %lt3A_70 : i32
      %convert_element_type3A_72 = arith.extui %lt3A_71 : i1 to i32
      %cond3A_73 = arith.constant 0 : i32
      %cond3A_74 = arith.cmpi ne, %convert_element_type3A_72, %cond3A_73 : i32
      scf.if %cond3A_74 {
        %ge3A = arith.constant 2 : i32
        %ge3A_137 = arith.cmpi sge, %add3A_67, %ge3A : i32
        %convert_element_type3A_138 = arith.extui %ge3A_137 : i1 to i32
        %cond3A_139 = arith.constant 0 : i32
        %cond3A_140 = arith.cmpi ne, %convert_element_type3A_138, %cond3A_139 : i32
        scf.if %cond3A_140 {
          %sub3A = arith.constant 2 : i32
          %sub3A_149 = arith.subi %add3A_67, %sub3A : i32
          %mul3A_150 = arith.constant 40 : i32
          %mul3A_151 = arith.muli %sub3A_149, %mul3A_150 : i32
          %add3A_152 = arith.addi %mul3A_2, %mul3A_151 : i32
          %dma_wait3A_153 = arith.constant 0 : i32
          %dma_wait3A_154 = tpu.memref_slice %arg4[%add3A_152, %dma_wait3A_153] : memref<204800x768xf32, #tpu.memory_space<hbm>> -> memref<40x768xf32, #tpu.memory_space<hbm>>
          %dma_wait3A_155 = arith.constant 0 : i32
          %dma_wait3A_156 = tpu.memref_slice %arg4[%add3A_152, %dma_wait3A_155] : memref<204800x768xf32, #tpu.memory_space<hbm>> -> memref<40x768xf32, #tpu.memory_space<hbm>>
          tpu.wait_dma2 semaphore(%arg17 : memref<!tpu.dma_semaphore, #tpu.memory_space<semaphore_mem>>) src(%arg9 : memref<40x768xf32, #tpu.memory_space<vmem>>) dst(%dma_wait3A_156 : memref<40x768xf32, #tpu.memory_space<hbm>>)
        } else {
        }
        %add3A_141 = arith.constant 2 : i32
        %add3A_142 = arith.addi %add3A_67, %add3A_141 : i32
        %mul3A_143 = arith.constant 40 : i32
        %mul3A_144 = arith.muli %add3A_142, %mul3A_143 : i32
        %dma_start3A_145 = tpu.memref_slice %arg5[%mul3A_144] : memref<2400xi32, #tpu.memory_space<vmem>> -> memref<40xi32, #tpu.memory_space<vmem>>
        %dma_start3A_146 = arith.constant 0 : i32
        %dma_start3A_147 = arith.constant 0 : i32
        %dma_start3A_148 = tpu.memref_slice %arg2[%dma_start3A_146, %dma_start3A_147] : memref<51200x768xf32, #tpu.memory_space<hbm>> -> memref<51200x768xf32, #tpu.memory_space<hbm>>
        tpu.enqueue_indirect_dma source(%dma_start3A_148 : memref<51200x768xf32, #tpu.memory_space<hbm>>) target(%arg9 : memref<40x768xf32, #tpu.memory_space<vmem>>) offsets(%dma_start3A_145 : memref<40xi32, #tpu.memory_space<vmem>>) semaphore(%arg13 : memref<!tpu.dma_semaphore, #tpu.memory_space<semaphore_mem>>)
      } else {
      }
      %mul3A_75 = arith.constant 40 : i32
      %mul3A_76 = arith.muli %add3A_67, %mul3A_75 : i32
      %dma_wait3A_77 = tpu.memref_slice %arg5[%mul3A_76] : memref<2400xi32, #tpu.memory_space<vmem>> -> memref<40xi32, #tpu.memory_space<vmem>>
      %dma_wait3A_78 = arith.constant 0 : i32
      %dma_wait3A_79 = arith.constant 0 : i32
      %dma_wait3A_80 = tpu.memref_slice %arg2[%dma_wait3A_78, %dma_wait3A_79] : memref<51200x768xf32, #tpu.memory_space<hbm>> -> memref<51200x768xf32, #tpu.memory_space<hbm>>
      tpu.wait_indirect_dma semaphore(%arg11 : memref<!tpu.dma_semaphore, #tpu.memory_space<semaphore_mem>>) src(%dma_wait3A_80 : memref<51200x768xf32, #tpu.memory_space<hbm>>) dst(%arg7 : memref<40x768xf32, #tpu.memory_space<vmem>>)
      %mul3A_81 = arith.constant 40 : i32
      %mul3A_82 = arith.muli %add3A_67, %mul3A_81 : i32
      %add3A_83 = arith.addi %mul3A_2, %mul3A_82 : i32
      %dma_start3A_84 = arith.constant 0 : i32
      %dma_start3A_85 = tpu.memref_slice %arg4[%add3A_83, %dma_start3A_84] : memref<204800x768xf32, #tpu.memory_space<hbm>> -> memref<40x768xf32, #tpu.memory_space<hbm>>
      %dma_start3A_86 = arith.constant 0 : i32
      %dma_start3A_87 = tpu.memref_slice %arg4[%add3A_83, %dma_start3A_86] : memref<204800x768xf32, #tpu.memory_space<hbm>> -> memref<40x768xf32, #tpu.memory_space<hbm>>
      tpu.enqueue_dma source(%arg7 : memref<40x768xf32, #tpu.memory_space<vmem>>) target(%dma_start3A_87 : memref<40x768xf32, #tpu.memory_space<hbm>>) target_semaphore(%arg15 : memref<!tpu.dma_semaphore, #tpu.memory_space<semaphore_mem>>)
      %mul3A_88 = arith.constant 4 : i32
      %mul3A_89 = arith.muli %mul3A_88, %scan3A_41 : i32
      %add3A_90 = arith.constant 2 : i32
      %add3A_91 = arith.addi %mul3A_89, %add3A_90 : i32
      %add3A_92 = arith.constant 2 : i32
      %add3A_93 = arith.addi %add3A_91, %add3A_92 : i32
      %lt3A_94 = arith.constant 60 : i32
      %lt3A_95 = arith.cmpi slt, %add3A_93, %lt3A_94 : i32
      %convert_element_type3A_96 = arith.extui %lt3A_95 : i1 to i32
      %cond3A_97 = arith.constant 0 : i32
      %cond3A_98 = arith.cmpi ne, %convert_element_type3A_96, %cond3A_97 : i32
      scf.if %cond3A_98 {
        %ge3A = arith.constant 2 : i32
        %ge3A_137 = arith.cmpi sge, %add3A_91, %ge3A : i32
        %convert_element_type3A_138 = arith.extui %ge3A_137 : i1 to i32
        %cond3A_139 = arith.constant 0 : i32
        %cond3A_140 = arith.cmpi ne, %convert_element_type3A_138, %cond3A_139 : i32
        scf.if %cond3A_140 {
          %sub3A = arith.constant 2 : i32
          %sub3A_149 = arith.subi %add3A_91, %sub3A : i32
          %mul3A_150 = arith.constant 40 : i32
          %mul3A_151 = arith.muli %sub3A_149, %mul3A_150 : i32
          %add3A_152 = arith.addi %mul3A_2, %mul3A_151 : i32
          %dma_wait3A_153 = arith.constant 0 : i32
          %dma_wait3A_154 = tpu.memref_slice %arg4[%add3A_152, %dma_wait3A_153] : memref<204800x768xf32, #tpu.memory_space<hbm>> -> memref<40x768xf32, #tpu.memory_space<hbm>>
          %dma_wait3A_155 = arith.constant 0 : i32
          %dma_wait3A_156 = tpu.memref_slice %arg4[%add3A_152, %dma_wait3A_155] : memref<204800x768xf32, #tpu.memory_space<hbm>> -> memref<40x768xf32, #tpu.memory_space<hbm>>
          tpu.wait_dma2 semaphore(%arg14 : memref<!tpu.dma_semaphore, #tpu.memory_space<semaphore_mem>>) src(%arg6 : memref<40x768xf32, #tpu.memory_space<vmem>>) dst(%dma_wait3A_156 : memref<40x768xf32, #tpu.memory_space<hbm>>)
        } else {
        }
        %add3A_141 = arith.constant 2 : i32
        %add3A_142 = arith.addi %add3A_91, %add3A_141 : i32
        %mul3A_143 = arith.constant 40 : i32
        %mul3A_144 = arith.muli %add3A_142, %mul3A_143 : i32
        %dma_start3A_145 = tpu.memref_slice %arg5[%mul3A_144] : memref<2400xi32, #tpu.memory_space<vmem>> -> memref<40xi32, #tpu.memory_space<vmem>>
        %dma_start3A_146 = arith.constant 0 : i32
        %dma_start3A_147 = arith.constant 0 : i32
        %dma_start3A_148 = tpu.memref_slice %arg2[%dma_start3A_146, %dma_start3A_147] : memref<51200x768xf32, #tpu.memory_space<hbm>> -> memref<51200x768xf32, #tpu.memory_space<hbm>>
        tpu.enqueue_indirect_dma source(%dma_start3A_148 : memref<51200x768xf32, #tpu.memory_space<hbm>>) target(%arg6 : memref<40x768xf32, #tpu.memory_space<vmem>>) offsets(%dma_start3A_145 : memref<40xi32, #tpu.memory_space<vmem>>) semaphore(%arg10 : memref<!tpu.dma_semaphore, #tpu.memory_space<semaphore_mem>>)
      } else {
      }
      %mul3A_99 = arith.constant 40 : i32
      %mul3A_100 = arith.muli %add3A_91, %mul3A_99 : i32
      %dma_wait3A_101 = tpu.memref_slice %arg5[%mul3A_100] : memref<2400xi32, #tpu.memory_space<vmem>> -> memref<40xi32, #tpu.memory_space<vmem>>
      %dma_wait3A_102 = arith.constant 0 : i32
      %dma_wait3A_103 = arith.constant 0 : i32
      %dma_wait3A_104 = tpu.memref_slice %arg2[%dma_wait3A_102, %dma_wait3A_103] : memref<51200x768xf32, #tpu.memory_space<hbm>> -> memref<51200x768xf32, #tpu.memory_space<hbm>>
      tpu.wait_indirect_dma semaphore(%arg12 : memref<!tpu.dma_semaphore, #tpu.memory_space<semaphore_mem>>) src(%dma_wait3A_104 : memref<51200x768xf32, #tpu.memory_space<hbm>>) dst(%arg8 : memref<40x768xf32, #tpu.memory_space<vmem>>)
      %mul3A_105 = arith.constant 40 : i32
      %mul3A_106 = arith.muli %add3A_91, %mul3A_105 : i32
      %add3A_107 = arith.addi %mul3A_2, %mul3A_106 : i32
      %dma_start3A_108 = arith.constant 0 : i32
      %dma_start3A_109 = tpu.memref_slice %arg4[%add3A_107, %dma_start3A_108] : memref<204800x768xf32, #tpu.memory_space<hbm>> -> memref<40x768xf32, #tpu.memory_space<hbm>>
      %dma_start3A_110 = arith.constant 0 : i32
      %dma_start3A_111 = tpu.memref_slice %arg4[%add3A_107, %dma_start3A_110] : memref<204800x768xf32, #tpu.memory_space<hbm>> -> memref<40x768xf32, #tpu.memory_space<hbm>>
      tpu.enqueue_dma source(%arg8 : memref<40x768xf32, #tpu.memory_space<vmem>>) target(%dma_start3A_111 : memref<40x768xf32, #tpu.memory_space<hbm>>) target_semaphore(%arg16 : memref<!tpu.dma_semaphore, #tpu.memory_space<semaphore_mem>>)
      %mul3A_112 = arith.constant 4 : i32
      %mul3A_113 = arith.muli %mul3A_112, %scan3A_41 : i32
      %add3A_114 = arith.constant 3 : i32
      %add3A_115 = arith.addi %mul3A_113, %add3A_114 : i32
      %add3A_116 = arith.constant 2 : i32
      %add3A_117 = arith.addi %add3A_115, %add3A_116 : i32
      %lt3A_118 = arith.constant 60 : i32
      %lt3A_119 = arith.cmpi slt, %add3A_117, %lt3A_118 : i32
      %convert_element_type3A_120 = arith.extui %lt3A_119 : i1 to i32
      %cond3A_121 = arith.constant 0 : i32
      %cond3A_122 = arith.cmpi ne, %convert_element_type3A_120, %cond3A_121 : i32
      scf.if %cond3A_122 {
        %ge3A = arith.constant 2 : i32
        %ge3A_137 = arith.cmpi sge, %add3A_115, %ge3A : i32
        %convert_element_type3A_138 = arith.extui %ge3A_137 : i1 to i32
        %cond3A_139 = arith.constant 0 : i32
        %cond3A_140 = arith.cmpi ne, %convert_element_type3A_138, %cond3A_139 : i32
        scf.if %cond3A_140 {
          %sub3A = arith.constant 2 : i32
          %sub3A_149 = arith.subi %add3A_115, %sub3A : i32
          %mul3A_150 = arith.constant 40 : i32
          %mul3A_151 = arith.muli %sub3A_149, %mul3A_150 : i32
          %add3A_152 = arith.addi %mul3A_2, %mul3A_151 : i32
          %dma_wait3A_153 = arith.constant 0 : i32
          %dma_wait3A_154 = tpu.memref_slice %arg4[%add3A_152, %dma_wait3A_153] : memref<204800x768xf32, #tpu.memory_space<hbm>> -> memref<40x768xf32, #tpu.memory_space<hbm>>
          %dma_wait3A_155 = arith.constant 0 : i32
          %dma_wait3A_156 = tpu.memref_slice %arg4[%add3A_152, %dma_wait3A_155] : memref<204800x768xf32, #tpu.memory_space<hbm>> -> memref<40x768xf32, #tpu.memory_space<hbm>>
          tpu.wait_dma2 semaphore(%arg15 : memref<!tpu.dma_semaphore, #tpu.memory_space<semaphore_mem>>) src(%arg7 : memref<40x768xf32, #tpu.memory_space<vmem>>) dst(%dma_wait3A_156 : memref<40x768xf32, #tpu.memory_space<hbm>>)
        } else {
        }
        %add3A_141 = arith.constant 2 : i32
        %add3A_142 = arith.addi %add3A_115, %add3A_141 : i32
        %mul3A_143 = arith.constant 40 : i32
        %mul3A_144 = arith.muli %add3A_142, %mul3A_143 : i32
        %dma_start3A_145 = tpu.memref_slice %arg5[%mul3A_144] : memref<2400xi32, #tpu.memory_space<vmem>> -> memref<40xi32, #tpu.memory_space<vmem>>
        %dma_start3A_146 = arith.constant 0 : i32
        %dma_start3A_147 = arith.constant 0 : i32
        %dma_start3A_148 = tpu.memref_slice %arg2[%dma_start3A_146, %dma_start3A_147] : memref<51200x768xf32, #tpu.memory_space<hbm>> -> memref<51200x768xf32, #tpu.memory_space<hbm>>
        tpu.enqueue_indirect_dma source(%dma_start3A_148 : memref<51200x768xf32, #tpu.memory_space<hbm>>) target(%arg7 : memref<40x768xf32, #tpu.memory_space<vmem>>) offsets(%dma_start3A_145 : memref<40xi32, #tpu.memory_space<vmem>>) semaphore(%arg11 : memref<!tpu.dma_semaphore, #tpu.memory_space<semaphore_mem>>)
      } else {
      }
      %mul3A_123 = arith.constant 40 : i32
      %mul3A_124 = arith.muli %add3A_115, %mul3A_123 : i32
      %dma_wait3A_125 = tpu.memref_slice %arg5[%mul3A_124] : memref<2400xi32, #tpu.memory_space<vmem>> -> memref<40xi32, #tpu.memory_space<vmem>>
      %dma_wait3A_126 = arith.constant 0 : i32
      %dma_wait3A_127 = arith.constant 0 : i32
      %dma_wait3A_128 = tpu.memref_slice %arg2[%dma_wait3A_126, %dma_wait3A_127] : memref<51200x768xf32, #tpu.memory_space<hbm>> -> memref<51200x768xf32, #tpu.memory_space<hbm>>
      tpu.wait_indirect_dma semaphore(%arg13 : memref<!tpu.dma_semaphore, #tpu.memory_space<semaphore_mem>>) src(%dma_wait3A_128 : memref<51200x768xf32, #tpu.memory_space<hbm>>) dst(%arg9 : memref<40x768xf32, #tpu.memory_space<vmem>>)
      %mul3A_129 = arith.constant 40 : i32
      %mul3A_130 = arith.muli %add3A_115, %mul3A_129 : i32
      %add3A_131 = arith.addi %mul3A_2, %mul3A_130 : i32
      %dma_start3A_132 = arith.constant 0 : i32
      %dma_start3A_133 = tpu.memref_slice %arg4[%add3A_131, %dma_start3A_132] : memref<204800x768xf32, #tpu.memory_space<hbm>> -> memref<40x768xf32, #tpu.memory_space<hbm>>
      %dma_start3A_134 = arith.constant 0 : i32
      %dma_start3A_135 = tpu.memref_slice %arg4[%add3A_131, %dma_start3A_134] : memref<204800x768xf32, #tpu.memory_space<hbm>> -> memref<40x768xf32, #tpu.memory_space<hbm>>
      tpu.enqueue_dma source(%arg9 : memref<40x768xf32, #tpu.memory_space<vmem>>) target(%dma_start3A_135 : memref<40x768xf32, #tpu.memory_space<hbm>>) target_semaphore(%arg17 : memref<!tpu.dma_semaphore, #tpu.memory_space<semaphore_mem>>)
      %scan3A_136 = arith.constant 0 : i32
      scf.yield %scan3A_136 : i32
    }
    %scan3A_17 = arith.constant 15 : i32
    %add3A_18 = arith.constant 2240 : i32
    %add3A_19 = arith.addi %mul3A_2, %add3A_18 : i32
    %dma_wait3A = arith.constant 0 : i32
    %dma_wait3A_20 = tpu.memref_slice %arg4[%add3A_19, %dma_wait3A] : memref<204800x768xf32, #tpu.memory_space<hbm>> -> memref<40x768xf32, #tpu.memory_space<hbm>>
    %dma_wait3A_21 = arith.constant 0 : i32
    %dma_wait3A_22 = tpu.memref_slice %arg4[%add3A_19, %dma_wait3A_21] : memref<204800x768xf32, #tpu.memory_space<hbm>> -> memref<40x768xf32, #tpu.memory_space<hbm>>
    tpu.wait_dma2 semaphore(%arg14 : memref<!tpu.dma_semaphore, #tpu.memory_space<semaphore_mem>>) src(%arg6 : memref<40x768xf32, #tpu.memory_space<vmem>>) dst(%dma_wait3A_22 : memref<40x768xf32, #tpu.memory_space<hbm>>)
    %add3A_23 = arith.constant 2280 : i32
    %add3A_24 = arith.addi %mul3A_2, %add3A_23 : i32
    %dma_wait3A_25 = arith.constant 0 : i32
    %dma_wait3A_26 = tpu.memref_slice %arg4[%add3A_24, %dma_wait3A_25] : memref<204800x768xf32, #tpu.memory_space<hbm>> -> memref<40x768xf32, #tpu.memory_space<hbm>>
    %dma_wait3A_27 = arith.constant 0 : i32
    %dma_wait3A_28 = tpu.memref_slice %arg4[%add3A_24, %dma_wait3A_27] : memref<204800x768xf32, #tpu.memory_space<hbm>> -> memref<40x768xf32, #tpu.memory_space<hbm>>
    tpu.wait_dma2 semaphore(%arg15 : memref<!tpu.dma_semaphore, #tpu.memory_space<semaphore_mem>>) src(%arg7 : memref<40x768xf32, #tpu.memory_space<vmem>>) dst(%dma_wait3A_28 : memref<40x768xf32, #tpu.memory_space<hbm>>)
    %add3A_29 = arith.constant 2320 : i32
    %add3A_30 = arith.addi %mul3A_2, %add3A_29 : i32
    %dma_wait3A_31 = arith.constant 0 : i32
    %dma_wait3A_32 = tpu.memref_slice %arg4[%add3A_30, %dma_wait3A_31] : memref<204800x768xf32, #tpu.memory_space<hbm>> -> memref<40x768xf32, #tpu.memory_space<hbm>>
    %dma_wait3A_33 = arith.constant 0 : i32
    %dma_wait3A_34 = tpu.memref_slice %arg4[%add3A_30, %dma_wait3A_33] : memref<204800x768xf32, #tpu.memory_space<hbm>> -> memref<40x768xf32, #tpu.memory_space<hbm>>
    tpu.wait_dma2 semaphore(%arg16 : memref<!tpu.dma_semaphore, #tpu.memory_space<semaphore_mem>>) src(%arg8 : memref<40x768xf32, #tpu.memory_space<vmem>>) dst(%dma_wait3A_34 : memref<40x768xf32, #tpu.memory_space<hbm>>)
    %add3A_35 = arith.constant 2360 : i32
    %add3A_36 = arith.addi %mul3A_2, %add3A_35 : i32
    %dma_wait3A_37 = arith.constant 0 : i32
    %dma_wait3A_38 = tpu.memref_slice %arg4[%add3A_36, %dma_wait3A_37] : memref<204800x768xf32, #tpu.memory_space<hbm>> -> memref<40x768xf32, #tpu.memory_space<hbm>>
    %dma_wait3A_39 = arith.constant 0 : i32
    %dma_wait3A_40 = tpu.memref_slice %arg4[%add3A_36, %dma_wait3A_39] : memref<204800x768xf32, #tpu.memory_space<hbm>> -> memref<40x768xf32, #tpu.memory_space<hbm>>
    tpu.wait_dma2 semaphore(%arg17 : memref<!tpu.dma_semaphore, #tpu.memory_space<semaphore_mem>>) src(%arg9 : memref<40x768xf32, #tpu.memory_space<vmem>>) dst(%dma_wait3A_40 : memref<40x768xf32, #tpu.memory_space<hbm>>)
    return
  }
}

module attributes {stable_mosaic.version = 14 : i64} {
  func.func @_table_body(%arg0: i32, %arg1: memref<8x768xf32, #tpu.memory_space<vmem>>, %arg2: memref<768x768xf32, #tpu.memory_space<vmem>>, %arg3: memref<1x768xf32, #tpu.memory_space<vmem>>, %arg4: memref<256x768xf32, #tpu.memory_space<vmem>>, %arg5: memref<8x256x768xf32, #tpu.memory_space<vmem>>, %arg6: memref<256x768xbf16, #tpu.memory_space<vmem>>, %arg7: memref<8x768xf32, #tpu.memory_space<vmem>>, %arg8: memref<256x768xf32, #tpu.memory_space<vmem>>) attributes {dimension_semantics = [#tpu.dimension_semantics<arbitrary>], iteration_bounds = array<i64: 25>, scalar_prefetch = 0 : i64, scratch_operands = 1 : i64, tpu.core_type = #tpu.core_type<tc>, window_params = [{transform_indices = @transform_0, window_bounds = array<i64: 8, 768>}, {pipeline_mode = #tpu.pipeline_mode<synchronous>, transform_indices = @transform_1, window_bounds = array<i64: 768, 768>}, {pipeline_mode = #tpu.pipeline_mode<synchronous>, transform_indices = @transform_2, window_bounds = array<i64: 1, 768>}, {pipeline_mode = #tpu.pipeline_mode<synchronous>, transform_indices = @transform_3, window_bounds = array<i64: 256, 768>}, {transform_indices = @transform_4, window_bounds = array<i64: 8, 256, 768>}, {pipeline_mode = #tpu.pipeline_mode<synchronous>, transform_indices = @transform_5, window_bounds = array<i64: 256, 768>}, {transform_indices = @transform_6, window_bounds = array<i64: 8, 768>}]} {
    %eq3A = arith.constant 0 : i32
    %eq3A_0 = arith.cmpi eq, %arg0, %eq3A : i32
    %convert_element_type3A = arith.extui %eq3A_0 : i1 to i32
    %cond3A = arith.constant 0 : i32
    %cond3A_1 = arith.cmpi ne, %convert_element_type3A, %cond3A : i32
    scf.if %cond3A_1 {
      %get3A_25 = arith.constant 0 : index
      %get3A_26 = arith.constant 0 : index
      %get3A_27 = vector.load %arg4[%get3A_25, %get3A_26] : memref<256x768xf32, #tpu.memory_space<vmem>>, vector<256x768xf32>
      %get3A_28 = arith.constant 0 : index
      %get3A_29 = arith.constant 0 : index
      %get3A_30 = vector.load %arg2[%get3A_28, %get3A_29] : memref<768x768xf32, #tpu.memory_space<vmem>>, vector<768x768xf32>
      %dot_general3A_31 = arith.constant dense<0.000000e+00> : vector<256x768xf32>
      %dot_general3A_32 = tpu.matmul %get3A_27, %get3A_30, %dot_general3A_31 {dimension_numbers = #tpu.dot_dimension_numbers<[1], [1], [0], [0], [0, 0, 1, 0], [], []>, transpose_lhs_hint = false} : vector<256x768xf32>, vector<768x768xf32>, vector<256x768xf32> -> vector<256x768xf32>
      %swap3A_33 = arith.constant 0 : index
      %swap3A_34 = arith.constant 0 : index
      %swap3A_35 = vector.load %arg8[%swap3A_33, %swap3A_34] : memref<256x768xf32, #tpu.memory_space<vmem>>, vector<256x768xf32>
      tpu.vector_store %arg8[%swap3A_33, %swap3A_34], %dot_general3A_32 {strides = array<i32>} : memref<256x768xf32, #tpu.memory_space<vmem>>, vector<256x768xf32>,
      %get3A_36 = arith.constant 0 : index
      %get3A_37 = arith.constant 0 : index
      %get3A_38 = vector.load %arg8[%get3A_36, %get3A_37] : memref<256x768xf32, #tpu.memory_space<vmem>>, vector<256x768xf32>
      %convert_element_type3A_39 = arith.truncf %get3A_38 : vector<256x768xf32> to vector<256x768xbf16>
      %swap3A_40 = arith.constant 0 : index
      %swap3A_41 = arith.constant 0 : index
      %swap3A_42 = vector.load %arg6[%swap3A_40, %swap3A_41] : memref<256x768xbf16, #tpu.memory_space<vmem>>, vector<256x768xbf16>
      tpu.vector_store %arg6[%swap3A_40, %swap3A_41], %convert_element_type3A_39 {strides = array<i32>} : memref<256x768xbf16, #tpu.memory_space<vmem>>, vector<256x768xbf16>,
    } else {
    }
    %get3A = arith.constant 0 : index
    %get3A_2 = arith.constant 0 : index
    %get3A_3 = vector.load %arg1[%get3A, %get3A_2] : memref<8x768xf32, #tpu.memory_space<vmem>>, vector<8x768xf32>
    %get3A_4 = arith.constant 0 : index
    %get3A_5 = arith.constant 0 : index
    %get3A_6 = vector.load %arg2[%get3A_4, %get3A_5] : memref<768x768xf32, #tpu.memory_space<vmem>>, vector<768x768xf32>
    %dot_general3A = arith.constant dense<0.000000e+00> : vector<8x768xf32>
    %dot_general3A_7 = tpu.matmul %get3A_3, %get3A_6, %dot_general3A {dimension_numbers = #tpu.dot_dimension_numbers<[1], [1], [0], [0], [0, 0, 1, 0], [], []>, transpose_lhs_hint = false} : vector<8x768xf32>, vector<768x768xf32>, vector<8x768xf32> -> vector<8x768xf32>
    %get3A_8 = arith.constant 0 : index
    %get3A_9 = arith.constant 0 : index
    %get3A_10 = vector.load %arg3[%get3A_8, %get3A_9] : memref<1x768xf32, #tpu.memory_space<vmem>>, vector<1x768xf32>
    %add3A = vector.broadcast %get3A_10 : vector<1x768xf32> to vector<8x768xf32>
    %add3A_11 = arith.addf %dot_general3A_7, %add3A : vector<8x768xf32>
    %get3A_12 = arith.constant 0 : index
    %get3A_13 = arith.constant 0 : index
    %get3A_14 = vector.load %arg8[%get3A_12, %get3A_13] : memref<256x768xf32, #tpu.memory_space<vmem>>, vector<256x768xf32>
    %broadcast_in_dim3A = vector.shape_cast %get3A_14 : vector<256x768xf32> to vector<1x256x768xf32>
    %broadcast_in_dim3A_15 = vector.shape_cast %add3A_11 : vector<8x768xf32> to vector<8x1x768xf32>
    %add3A_16 = vector.broadcast %broadcast_in_dim3A : vector<1x256x768xf32> to vector<8x256x768xf32>
    %add3A_17 = vector.broadcast %broadcast_in_dim3A_15 : vector<8x1x768xf32> to vector<8x256x768xf32>
    %add3A_18 = arith.addf %add3A_16, %add3A_17 : vector<8x256x768xf32>
    %swap3A = arith.constant 0 : index
    %swap3A_19 = arith.constant 0 : index
    %swap3A_20 = arith.constant 0 : index
    %swap3A_21 = vector.load %arg5[%swap3A, %swap3A_19, %swap3A_20] : memref<8x256x768xf32, #tpu.memory_space<vmem>>, vector<8x256x768xf32>
    tpu.vector_store %arg5[%swap3A, %swap3A_19, %swap3A_20], %add3A_18 {strides = array<i32>} : memref<8x256x768xf32, #tpu.memory_space<vmem>>, vector<8x256x768xf32>,
    %swap3A_22 = arith.constant 0 : index
    %swap3A_23 = arith.constant 0 : index
    %swap3A_24 = vector.load %arg7[%swap3A_22, %swap3A_23] : memref<8x768xf32, #tpu.memory_space<vmem>>, vector<8x768xf32>
    tpu.vector_store %arg7[%swap3A_22, %swap3A_23], %add3A_11 {strides = array<i32>} : memref<8x768xf32, #tpu.memory_space<vmem>>, vector<8x768xf32>,
    return
  }
  func.func @transform_0(%arg0: i32) -> (i32, i32) {
    %c0_i32 = arith.constant 0 : i32
    %c0_i32_0 = arith.constant 0 : i32
    return %arg0, %c0_i32 : i32, i32
  }
  func.func @transform_1(%arg0: i32) -> (i32, i32) {
    %c0_i32 = arith.constant 0 : i32
    %c0_i32_0 = arith.constant 0 : i32
    %c0_i32_1 = arith.constant 0 : i32
    return %c0_i32, %c0_i32_0 : i32, i32
  }
  func.func @transform_2(%arg0: i32) -> (i32, i32) {
    %c0_i32 = arith.constant 0 : i32
    %c0_i32_0 = arith.constant 0 : i32
    %c0_i32_1 = arith.constant 0 : i32
    return %c0_i32, %c0_i32_0 : i32, i32
  }
  func.func @transform_3(%arg0: i32) -> (i32, i32) {
    %c0_i32 = arith.constant 0 : i32
    %c0_i32_0 = arith.constant 0 : i32
    %c0_i32_1 = arith.constant 0 : i32
    return %c0_i32, %c0_i32_0 : i32, i32
  }
  func.func @transform_4(%arg0: i32) -> (i32, i32, i32) {
    %c0_i32 = arith.constant 0 : i32
    %c0_i32_0 = arith.constant 0 : i32
    %c0_i32_1 = arith.constant 0 : i32
    return %arg0, %c0_i32, %c0_i32_0 : i32, i32, i32
  }
  func.func @transform_5(%arg0: i32) -> (i32, i32) {
    %c0_i32 = arith.constant 0 : i32
    %c0_i32_0 = arith.constant 0 : i32
    %c0_i32_1 = arith.constant 0 : i32
    return %c0_i32, %c0_i32_0 : i32, i32
  }
  func.func @transform_6(%arg0: i32) -> (i32, i32) {
    %c0_i32 = arith.constant 0 : i32
    %c0_i32_0 = arith.constant 0 : i32
    return %arg0, %c0_i32 : i32, i32
  }
}

module attributes {stable_mosaic.version = 14 : i64} {
  func.func @_onehot_body(%arg0: i32, %arg1: memref<16x200xi32, #tpu.memory_space<vmem>>, %arg2: memref<256x768xbf16, #tpu.memory_space<vmem>>, %arg3: memref<200x768xf32, #tpu.memory_space<vmem>>, %arg4: memref<204800x768xf32, #tpu.memory_space<hbm>>, %arg5: memref<3200x768xf32, #tpu.memory_space<vmem>>) attributes {dimension_semantics = [#tpu.dimension_semantics<arbitrary>], iteration_bounds = array<i64: 40>, scalar_prefetch = 0 : i64, scratch_operands = 0 : i64, tpu.core_type = #tpu.core_type<tc>, window_params = [{transform_indices = @transform_0, window_bounds = array<i64: 16, 200>}, {pipeline_mode = #tpu.pipeline_mode<synchronous>, transform_indices = @transform_1, window_bounds = array<i64: 256, 768>}, {pipeline_mode = #tpu.pipeline_mode<synchronous>, transform_indices = @transform_2, window_bounds = array<i64: 200, 768>}, {}, {transform_indices = @transform_4, window_bounds = array<i64: 3200, 768>}]} {
    %get3A = arith.constant 0 : index
    %get3A_0 = arith.constant 0 : index
    %get3A_1 = vector.load %arg1[%get3A, %get3A_0] : memref<16x200xi32, #tpu.memory_space<vmem>>, vector<16x200xi32>
    %iota3A = tpu.iota {dimensions = array<i32: 2>} : vector<16x200x256xi32>
    %broadcast_in_dim3A = vector.shape_cast %get3A_1 : vector<16x200xi32> to vector<16x200x1xi32>
    %eq3A = vector.broadcast %broadcast_in_dim3A : vector<16x200x1xi32> to vector<16x200x256xi32>
    %eq3A_2 = arith.cmpi eq, %iota3A, %eq3A : vector<16x200x256xi32>
    %convert_element_type3A = arith.extui %eq3A_2 : vector<16x200x256xi1> to vector<16x200x256xi32>
    %convert_element_type3A_3 = arith.sitofp %convert_element_type3A : vector<16x200x256xi32> to vector<16x200x256xf32>
    %convert_element_type3A_4 = arith.truncf %convert_element_type3A_3 : vector<16x200x256xf32> to vector<16x200x256xbf16>
    %reshape3A = vector.shape_cast %convert_element_type3A_4 : vector<16x200x256xbf16> to vector<3200x256xbf16>
    %get3A_5 = arith.constant 0 : index
    %get3A_6 = arith.constant 0 : index
    %get3A_7 = vector.load %arg2[%get3A_5, %get3A_6] : memref<256x768xbf16, #tpu.memory_space<vmem>>, vector<256x768xbf16>
    %dot_general3A = arith.constant dense<0.000000e+00> : vector<3200x768xf32>
    %dot_general3A_8 = tpu.matmul %reshape3A, %get3A_7, %dot_general3A {dimension_numbers = #tpu.dot_dimension_numbers<[1], [0], [0], [1], [0, 0, 1, 1], [], []>, transpose_lhs_hint = false} : vector<3200x256xbf16>, vector<256x768xbf16>, vector<3200x768xf32> -> vector<3200x768xf32>
    %reshape3A_9 = vector.shape_cast %dot_general3A_8 : vector<3200x768xf32> to vector<16x200x768xf32>
    %get3A_10 = arith.constant 0 : index
    %get3A_11 = arith.constant 0 : index
    %get3A_12 = vector.load %arg3[%get3A_10, %get3A_11] : memref<200x768xf32, #tpu.memory_space<vmem>>, vector<200x768xf32>
    %broadcast_in_dim3A_13 = vector.shape_cast %get3A_12 : vector<200x768xf32> to vector<1x200x768xf32>
    %add3A = vector.broadcast %broadcast_in_dim3A_13 : vector<1x200x768xf32> to vector<16x200x768xf32>
    %add3A_14 = arith.addf %reshape3A_9, %add3A : vector<16x200x768xf32>
    %reshape3A_15 = vector.shape_cast %add3A_14 : vector<16x200x768xf32> to vector<3200x768xf32>
    %swap3A = arith.constant 0 : index
    %swap3A_16 = arith.constant 0 : index
    %swap3A_17 = vector.load %arg5[%swap3A, %swap3A_16] : memref<3200x768xf32, #tpu.memory_space<vmem>>, vector<3200x768xf32>
    tpu.vector_store %arg5[%swap3A, %swap3A_16], %reshape3A_15 {strides = array<i32>} : memref<3200x768xf32, #tpu.memory_space<vmem>>, vector<3200x768xf32>,
    return
  }
  func.func @transform_0(%arg0: i32) -> (i32, i32) {
    %add3A = arith.constant 24 : i32
    %add3A_0 = arith.addi %add3A, %arg0 : i32
    %c0_i32 = arith.constant 0 : i32
    %c0_i32_1 = arith.constant 0 : i32
    return %add3A_0, %c0_i32 : i32, i32
  }
  func.func @transform_1(%arg0: i32) -> (i32, i32) {
    %c0_i32 = arith.constant 0 : i32
    %c0_i32_0 = arith.constant 0 : i32
    %c0_i32_1 = arith.constant 0 : i32
    return %c0_i32, %c0_i32_0 : i32, i32
  }
  func.func @transform_2(%arg0: i32) -> (i32, i32) {
    %c0_i32 = arith.constant 0 : i32
    %c0_i32_0 = arith.constant 0 : i32
    %c0_i32_1 = arith.constant 0 : i32
    return %c0_i32, %c0_i32_0 : i32, i32
  }
  func.func @transform_4(%arg0: i32) -> (i32, i32) {
    %add3A = arith.constant 24 : i32
    %add3A_0 = arith.addi %add3A, %arg0 : i32
    %c0_i32 = arith.constant 0 : i32
    %c0_i32_1 = arith.constant 0 : i32
    return %add3A_0, %c0_i32 : i32, i32
  }
}

</mosaic_0001>

<sc_bundles>
// kernel: kernel.5.cloned.1.call-start
scs
__scs_entry_jumppad:
0x0: {  	(pc) =	sbr.rel $0x88, $3  }
0x1: {  	(tag) =	ssettag $0x0;
	lr =	simm.s32 $0x1  }
0x2: {  	[smem:$0x3F9C] =	sst lr;
	_ =	strace $0xD0000000  }
0x3: {  	_ = 	snop  }
0x4: {  	_ = 	snop  }
0x5: {  	_ = 	snop  }
0x6: {  	_ = 	snop  }
0x7: {  	_ = 	snop  }
__scs_overlays_trampoline_lowered:
0x8: {  	[smem:$0x3FAB] =	sst s0  }
0x9: {  	[smem:$0x3FAC] =	sst s1  }
0xa: {  	[smem:$0x3FAD] =	sst s2  }
0xb: {  	[smem:$0x3FAE] =	sst s3  }
0xc: {  	[smem:$0x3FAF] =	sst s4  }
0xd: {  	[smem:$0x3FB0] =	sst s5  }
0xe: {  	[smem:$0x3FB1] =	sst s6  }
0xf: {  	[smem:$0x3FB2] =	sst s7  }
0x10: {  	[smem:$0x3FB3] =	sst s8  }
0x11: {  	[smem:$0x3FB4] =	sst s9;
	s0 =	simm.s32 @!p0 $0x0  }
0x12: {  	s1 =	sld [smem:$0x3F9A];
	s0 =	simm.s32 @p0 $0x1  }
0x13: {  	[smem:$0x3FB5] =	sst s0;
	s0 =	simm.s32 @!p1 $0x0  }
0x14: {  	s2 =	sld [smem:$0x3F99];
	s0 =	simm.s32 @p1 $0x1  }
0x15: {  	[smem:$0x3FB6] =	sst s0;
	s0 =	simm.s32 @!p2 $0x0  }
0x16: {  	s3 =	sld [smem:$0x3FDB];
	s0 =	simm.s32 @p2 $0x1  }
0x17: {  	s4 =	simm.s32 $0x1BF5;
	[smem:$0x3FB8] =	sst s0  }
0x18: {  	s0 =	sld [smem:$0x3F9B];
	_ =	swait.ge [sflag:s4], $0x0  }
0x19: {  	s7 =	sld [smem:$0x3F9C]  }
0x1a: {  	s8 =	sadd.s32 $0xFFFFE003, lr  }
0x1b: {  	s9 =	sadd.s32 $0xFFFFFEF7, lr;
	s5 =	simm.s32 $0xFFFFFFFF;
	p2 =	slt.u32 s8, $0xFFFFF086  }
0x1c: {  	p1 =	slt.u32 s9, $0xF7A;
	s5 =	simm.s32 @!p2 $0x0  }
0x1d: {  	s5 =	simm.s32 @p1 $0x1;
	p0 =	seq.s32 s7, s2  }
0x1e: {  	s7 =	smul.u32 @!p0 $0xF7A, s2;
	p2 =	seq.s32 @!p0 s5, $0x0  }
0x1f: {  	s9 =	smul.u32 $0xF7A, s1;
	s8 =	simm.s32 @!p0 $0x1BF5;
	p2 =	por !p2, p0  }
0x20: {  	[sflag:s8] =	ssyncset.s32 @!p0 $0xFFFFF086;
	s6 =	sadd.s32 @!p0 s3, s7;
	s7 =	simm.s32 @!p0 $0x108  }
0x21: {  	s3 =	sadd.s32 s3, s9;
	s6 =	sadd.s32 @!p0 $0x88, s6;
	s7 =	simm.s32 @p2 $0x1082  }
0x22: {  	[simem:s7], [sflag:s8] =	dma.local @!p0 [hbm:s6], $0xF7A  }
0x23: {  	s9 =	sor.u32 $0xD0000000, s2;
	s6 =	simm.s32 $0x108;
	_ =	swait.ge @!p0 [sflag:s8], $0x0  }
0x24: {  	s3 =	sadd.s32 $0x88, s3;
	s6 =	simm.s32 @!p1 $0x1082;
	[sflag:s4] =	ssyncset.s32 $0xFFFFF086  }
0x25: {  	[simem:s6], [sflag:s4] =	dma.local [hbm:s3], $0xF7A  }
0x26: {  	[smem:$0x3F9C] =	sst s1;
	(tag) =	ssettag s2;
	_ =	strace s9  }
0x27: {  	s1 =	sld [smem:$0x3FAC]  }
0x28: {  	s2 =	sld [smem:$0x3FAD]  }
0x29: {  	s4 =	sld [smem:$0x3FAF]  }
0x2a: {  	p0 =	seq.s32 s5, $0x0;
	s5 =	sld [smem:$0x3FB0]  }
0x2b: {  	s6 =	sld [smem:$0x3FB1]  }
0x2c: {  	s7 =	sld [smem:$0x3FB2]  }
0x2d: {  	s3 =	simm.s32 $0x108;
	s8 =	sld [smem:$0x3FB3]  }
0x2e: {  	s3 =	simm.s32 @!p0 $0x1082;
	s9 =	sld [smem:$0x3FB4]  }
0x2f: {  	lr =	sadd.s32 s0, s3;
	s0 =	sld [smem:$0x3FAB]  }
0x30: {  	s3 =	sld [smem:$0x3FAE]  }
0x31: {  	[smem:$0x3FB7] =	sst s10  }
0x32: {  	s10 =	sld [smem:$0x3FB5];
	_ =	sdelay $0x3  }
0x33: {  	p0 =	seq.s32 s10, $0x1;
	s10 =	sld [smem:$0x3FB7];
	_ =	sdelay $0x3  }
0x34: {  	[smem:$0x3FB7] =	sst s10  }
0x35: {  	s10 =	sld [smem:$0x3FB6];
	_ =	sdelay $0x3  }
0x36: {  	p1 =	seq.s32 s10, $0x1;
	s10 =	sld [smem:$0x3FB7];
	_ =	sdelay $0x3  }
0x37: {  	[smem:$0x3FB7] =	sst s10  }
0x38: {  	s10 =	sld [smem:$0x3FB8]  }
0x39: {  	_ = 	snop;
	(pc) =	sbr.ind lr, $3  }
0x3a: {  	_ = 	snop  }
0x3b: {  	_ = 	snop  }
0x3c: {  	p2 =	seq.s32 s10, $0x1;
	s10 =	sld [smem:$0x3FB7]  }
0x3d: {  	_ =	shalt  }
0x3e: {  	_ =	shalt  }
0x3f: {  	_ =	shalt  }
0x40: {  	_ =	shalt  }
0x41: {  	_ =	shalt  }
0x42: {  	_ =	shalt  }
0x43: {  	_ =	shalt  }
0x44: {  	_ =	shalt  }
0x45: {  	_ =	shalt  }
0x46: {  	_ =	shalt  }
0x47: {  	_ =	shalt  }
0x48: {  	_ =	shalt  }
0x49: {  	_ =	shalt  }
0x4a: {  	_ =	shalt  }
0x4b: {  	_ =	shalt  }
0x4c: {  	_ =	shalt  }
0x4d: {  	_ =	shalt  }
0x4e: {  	_ =	shalt  }
0x4f: {  	_ =	shalt  }
0x50: {  	_ =	shalt  }
0x51: {  	_ =	shalt  }
0x52: {  	_ =	shalt  }
0x53: {  	_ =	shalt  }
0x54: {  	_ =	shalt  }
0x55: {  	_ =	shalt  }
0x56: {  	_ =	shalt  }
0x57: {  	_ =	shalt  }
0x58: {  	_ =	shalt  }
0x59: {  	_ =	shalt  }
0x5a: {  	_ =	shalt  }
0x5b: {  	_ =	shalt  }
0x5c: {  	_ =	shalt  }
0x5d: {  	_ =	shalt  }
0x5e: {  	_ =	shalt  }
0x5f: {  	_ =	shalt  }
0x60: {  	_ =	shalt  }
0x61: {  	_ =	shalt  }
0x62: {  	_ =	shalt  }
0x63: {  	_ =	shalt  }
0x64: {  	_ =	shalt  }
0x65: {  	_ =	shalt  }
0x66: {  	_ =	shalt  }
0x67: {  	_ =	shalt  }
0x68: {  	_ =	shalt  }
0x69: {  	_ =	shalt  }
0x6a: {  	_ =	shalt  }
0x6b: {  	_ =	shalt  }
0x6c: {  	_ =	shalt  }
0x6d: {  	_ =	shalt  }
0x6e: {  	_ =	shalt  }
0x6f: {  	_ =	shalt  }
0x70: {  	_ =	shalt  }
0x71: {  	_ =	shalt  }
0x72: {  	_ =	shalt  }
0x73: {  	_ =	shalt  }
0x74: {  	_ =	shalt  }
0x75: {  	_ =	shalt  }
0x76: {  	_ =	shalt  }
0x77: {  	_ =	shalt  }
0x78: {  	_ =	shalt  }
0x79: {  	_ =	shalt  }
0x7a: {  	_ =	shalt  }
0x7b: {  	_ =	shalt  }
0x7c: {  	_ =	shalt  }
0x7d: {  	_ =	shalt  }
0x7e: {  	_ =	shalt  }
0x7f: {  	_ =	shalt  }
0x80: {  	_ =	shalt  }
0x81: {  	_ =	shalt  }
0x82: {  	_ =	shalt  }
0x83: {  	_ =	shalt  }
0x84: {  	_ =	shalt  }
0x85: {  	_ =	shalt  }
0x86: {  	_ =	shalt  }
0x87: {  	_ =	shalt  }
.Lfunc_end0:
.L_simem_size_0:
called_computation_lowered:
.L_overlay_start_0:
0x88: {  	s2 =	sld [smem:$0x3FD9]  }
0x89: {  	s3 =	sld [smem:$0x3FFE];
	_ =	sdelay $0x1  }
0x8a: {  	s1 =	srdreg.scid  }
0x8b: {  	s0 =	sand.u32 $0x1, s1  }
0x8c: {  	s17 =	sshll.u32 s0, $0xA;
	s2 =	sadd.s32 s3, s2  }
0x8d: {  	s2 =	sadd.s32 s2, s17  }
0x8e: {  	[smem:$0x3FC3] =	sst s2  }
0x8f: {  	_ = 	snop  }
0x90: {  	s2 =	sld [smem:$0x3FD0];
	(tm) =	ssettm $0x1  }
0x91: {  	s18 =	sld [smem:$0x3FFB];
	_ =	sdelay $0x3  }
0x92: {  	_ =	strace s18  }
0x93: {  	s3 =	sld [smem:$0x3FFC];
	_ =	sdelay $0x3  }
0x94: {  	_ =	strace s3  }
0x95: {  	s3 =	sld [smem:$0x3FFD];
	_ =	sdelay $0x3  }
0x96: {  	_ =	strace s3  }
0x97: {  	_ =	strace $0x8FFFFFFF  }
0x98: {  	s19 =	sld [smem:$0x3FDB];
	_ =	sdelay $0x1  }
0x99: {  	s4 =	simm.s32 $_scs_section_size  }
0x9a: {  	s5 =	simm.s32 $_size__tile_overlayer_lowered;
	s6 =	simm.s32 $_tile_overlayer_lowered  }
0x9b: {  	s22 =	simm.s32 $0x1BFF;
	s21 =	sshll.u32 s6, $0x1;
	s3 =	sadd.s32 s4, s19  }
0x9c: {  	s7 =	simm.s32 $0x0;
	s20 =	sshll.u32 s5, $0x1;
	s5 =	sadd.s32 s21, s3  }
0x9d: {  	[timem:s7], [sflag:s22] =	dma.local [hbm:s5], s20  }
0x9e: {  	_ =	swait.ge [sflag:s22], s20  }
0x9f: {  	s4 =	ssub.s32 $0x0, s20;
	[sflag:s22] =	ssyncset.done $0x0  }
0xa0: {  	[sflag:s22] =	ssyncadd.s32 s4;
	_ =	sdelay $0x1  }
0xa1: {  	s23 =	simm.s32 $0x1B8B  }
0xa2: {  	_ =	swait.ge [sflag:s23], $0x1  }
0xa3: {  	[sflag:s23] =	ssyncset.done $0x0  }
0xa4: {  	s25 =	simm.s32 $0x1B8E;
	s24 =	sld [smem:$0x3FFE];
	[sflag:s23] =	ssyncadd.s32 $0xFFFFFFFF  }
0xa5: {  	s26 =	simm.s32 $execute0_lowered;
	[smem:$0x3FD2] =	sst s25  }
0xa6: {  	s5 =	sshll.u32 s26, $0x1;
	_ =	strace $0x80000046;
	[dreg:$0x1] =	wrdreg $0xFFFFFFFF  }
0xa7: {  	s28 =	simm.s32 $_size_execute0_lowered;
	s3 =	sadd.s32 s3, s5;
	[dreg:$0x0] =	wrdreg $0x0  }
0xa8: {  	s5 =	sshll.u32 s28, $0x1;
	[dreg:$0x2] =	wrdreg s3  }
0xa9: {  	[dreg:$0x3] =	wrdreg s5  }
0xaa: {  	[dreg:$0x4] =	wrdreg $0xC0  }
0xab: {  	_ =	task [dreg:s7], $0x5FFFF  }
0xac: {  	[dreg:$0x1] =	wrdreg $0xFFFFFFFF  }
0xad: {  	[dreg:$0x0] =	wrdreg $0x60  }
0xae: {  	[dreg:$0x2] =	wrdreg s24  }
0xaf: {  	[dreg:$0x3] =	wrdreg s2  }
0xb0: {  	[dreg:$0x4] =	wrdreg $0x9  }
0xb1: {  	_ =	task.clear_ibuf [dreg:s7], $0x5FFFF;
	_ =	strace $0x90000046  }
0xb2: {  	s29 =	simm.s32 $0x9;
	_ =	strace $0x80000048  }
0xb3: {  	_ =	swait.ge [sflag:s29], $0x1  }
0xb4: {  	[sflag:s29] =	ssyncadd.s32 $0xFFFFFFFF  }
0xb5: {  	_ =	strace $0x90000048  }
0xb6: {  	_ =	sfence  }
0xb7: {  	s30 =	sld [smem:$0x0];
	_ =	sdelay $0x2  }
0xb8: {  	s31 =	sshll.u32 s1, $0xD;
	s1 =	sshrl.u32 s1, $0x2  }
0xb9: {  	s3 =	sand.u32 $0x4000, s31;
	s1 =	sadd.s32 s1, s30  }
0xba: {  	s0 =	sor.u32 s3, s0;
	s1 =	sshll.u32 s1, $0x11  }
0xbb: {  	s0 =	sor.u32 s1, s0  }
0xbc: {  	s0 =	sadd.s32 $0x8F2B, s0  }
0xbd: {  	[sflag:s0] =	ssyncadd.remote.s32 $0x1  }
0xbe: {  	_ =	sfence.sel $0xFFFF  }
0xbf: {  	[dreg:$0x0] =	wrdreg $0xFFFFFFFF;
	(pc) =	sbr.abs _section_cstart, $3  }
0xc0: {  	[dreg:$0x1] =	wrdreg $0xFFFFFFFF  }
0xc1: {  	_ =	task.clear_ibuf [dreg:s7], $0x2FFFF;
	_ =	strace $0x9FFFFFFF  }
0xc2: {  	(tm) =	ssettm $0x7FFFFFFF  }
0xc3: {  	_ =	shalt  }
tec
execute0_lowered:
.L_overlay_start_1:
0x0: {  	(tag) =	ssettag $0x1  }
0x1: {  	s0 =	srdreg.scid  }
0x2: {  	s3 =	stileid.u32;
	s4 =	rddreg [dreg:$0x0]  }
0x3: {  	s7 =	rddreg [dreg:$0x1];
	s2 =	simm.s32 $0x0;
	s13 =	simm.s32 $0x980  }
0x4: {  	s29 =	simm.s32 $0x8180;
	s21 =	simm.s32 $0xF980;
	s15 =	simm.s32 $0x1  }
0x5: {  	s16 =	simm.s32 $0x17180;
	s28 =	simm.s32 $0x1C180;
	s30 =	simm.s32 $0x1C980  }
0x6: {  	s31 =	simm.s32 $0x1D180;
	s12 =	simm.s32 $0x4;
	s14 =	simm.s32 $0x5  }
0x7: {  	s17 =	simm.s32 $0x6;
	s20 =	simm.s32 $0x0;
	s0 =	sand.u32 $0x1, s0  }
0x8: {  	s1 =	sshll.u32 s3, $0x1;
	s5 =	smul.u32 $0x12C0, s3;
	[smem:$0x7FF] =	sst s2  }
0x9: {  	s1 =	sor.u32 s0, s1;
	s6 =	smul.u32 $0x960, s0;
	s0 =	ssub.s32 $0x2, s0  }
0xa: {  	s3 =	sadd.s32 $0x3A00, s4;
	s1 =	smul.u32 $0x960, s1;
	s8 =	sshrl.u32 s0, $0x1  }
0xb: {  	_ =	strace $0x80000047;
	s5 =	sadd.s32 s6, s5;
	s0 =	ssub.s32 s0, s8  }
0xc: {  	s1 =	sshrl.u32 s1, $0x3;
	s6 =	sadd.s32 $0x50, s5;
	s9 =	sadd.s32 $0x78, s5  }
0xd: {  	s24 =	sshrl.u32 s5, $0x3;
	s5 =	sadd.s32 $0x28, s5;
	s0 =	smax.u32 s0, $0x1  }
0xe: {  	s1 =	sadd.s32 s1, s4;
	s6 =	sshrl.u32 s6, $0x3;
	s25 =	smul.u32 $0x300, s24  }
0xf: {  	s23 =	sshrl.u32 s9, $0x3;
	s10 =	sshrl.u32 s5, $0x3;
	s22 =	smul.u32 $0x300, s6  }
0x10: {  	s5 =	sadd.s32 $0x3B00, s4;
	[dreg:$0x4] =	wrdreg s0;
	s9 =	smul.u32 $0x300, s23  }
0x11: {  	s24 =	simm.s32 $0x1A980;
	s0 =	simm.s32 $0x1E180;
	s26 =	smul.u32 $0x300, s10  }
.Ltmp0:
0x12: {  	s1 =	sadd.s32 $0x1400, s1;
	s6 =	sadd.s32 $0x3C00, s4;
	(pc) =	sbr.rel .LBB2_1-.Ltmp0, $4  }
0x13: {  	s23 =	simm.s32 $0x1A180;
	s4 =	simm.s32 $0x2;
	[dreg:$0x3] =	wrdreg s1  }
0x14: {  	v2 =	vlaneseq.u32;
	s10 =	sadd.s32 s25, s7;
	s25 =	simm.s32 $0x1B180;
	s1 =	simm.s32 $0x1D980  }
0x15: {  	vm0 =	vmmov $0xffff;
	v1 =	vshrl.u32 v2, $0x3;
	s8 =	sadd.s32 s22, s7;
	s9 =	sadd.s32 s9, s7;
	s11 =	sadd.s32 s26, s7  }
0x16: {  	v0 =	vand.u32 $0x7, v2;
	v2 =	vor.u32 $0x8, v2;
	v1 =	vmul.u32 $0x8, v1;
	s22 =	simm.s32 $0x19980;
	s26 =	simm.s32 $0x1B980;
	s7 =	simm.s32 $0x3  }
.LBB2_7:
0x17: {  	_ =	swait.ge [sflag:s14], $0x7800  }
0x18: {  	[sflag:s14] =	ssyncset.done $0x0  }
0x19: {  	[sflag:s14] =	ssyncadd.s32 $0xFFFF8800  }
0x1a: {  	_ =	swait.ge [sflag:s17], $0x7800  }
0x1b: {  	[sflag:s17] =	ssyncset.done $0x0  }
0x1c: {  	s18 =	simm.s32 $0x7;
	[sflag:s17] =	ssyncadd.s32 $0xFFFF8800  }
0x1d: {  	_ =	swait.ge [sflag:s18], $0x7800  }
0x1e: {  	[sflag:s18] =	ssyncset.done $0x0  }
0x1f: {  	s19 =	simm.s32 $0x8;
	[sflag:s18] =	ssyncadd.s32 $0xFFFF8800  }
0x20: {  	_ =	swait.ge [sflag:s19], $0x7800  }
0x21: {  	s20 =	rddreg [dreg:$0x5]  }
0x22: {  	s18 =	rddreg [dreg:$0x4];
	s20 =	sadd.s32 $0x1, s20  }
0x23: {  	p0 =	sne.s32 s20, s18  }
.Ltmp1:
0x24: {  	_ = 	snop;
	(pc) =	sbr.rel @!p0 .LBB2_8-.Ltmp1, $3  }
0x25: {  	_ =	sdelay $0x1  }
0x26: {  	[sflag:s19] =	ssyncset.done $0x0  }
0x27: {  	[sflag:s19] =	ssyncadd.s32 $0xFFFF8800  }
.LBB2_1:
0x28: {  	[dreg:$0x5] =	wrdreg s20  }
0x29: {  	s18 =	rddreg [dreg:$0x3];
	s20 =	simm.s32 $0x9  }
0x2a: {  	[tilespmem:s2], [sflag:$0x9] =	stream.linear.gather [hbm4b:s18+s2], $0x960, $0x38;
	[tilespmem:$0x1E980] =	vst v63  }
0x2b: {  	_ =	swait.ge [sflag:s20], $0x960  }
0x2c: {  	[sflag:s20] =	ssyncset.done $0x0  }
0x2d: {  	[sflag:s20] =	ssyncadd.s32 $0xFFFFF6A0  }
0x2e: {  	v3 =	vld [tilespmem:$0x0];
	_ =	sdelay $0x4  }
0x2f: {  	v4 =	vshrl.u32 v3, $0x3  }
0x30: {  	v4 =	vmul.u32 $0x30, v4  }
0x31: {  	v3 =	vand.u32 $0x7, v3  }
0x32: {  	v3 =	vor.u32 v3, v4  }
0x33: {  	v4 =	vperm.xlane v3, v0;
	_ =	sdelay $0x1  }
0x34: {  	v4 =	vadd.s32 v1, v4;
	_ =	sdelay $0x3  }
0x35: {  	v3 =	vperm.xlane v3, v2  }
0x36: {  	[tilespmem:s13], [sflag:$0x1] =	stream.indirect_vreg.gather [hbm4b:s3+s2], $0x80, v4, vm0, $0xb8;
	[tilespmem:$0x1E980] =	vst v63  }
0x37: {  	s19 =	simm.s32 $0x1180;
	v3 =	vadd.s32 v1, v3  }
0x38: {  	[tilespmem:s19], [sflag:$0x1] =	stream.indirect_vreg.gather [hbm4b:s5+s2], $0x80, v4, vm0, $0xb8;
	[tilespmem:$0x1E980] =	vst v63  }
0x39: {  	s20 =	simm.s32 $0x1980  }
0x3a: {  	[tilespmem:s20], [sflag:$0x1] =	stream.indirect_vreg.gather [hbm4b:s6+s2], $0x80, v4, vm0, $0xb8;
	[tilespmem:$0x1E980] =	vst v63  }
0x3b: {  	s19 =	simm.s32 $0x2180  }
0x3c: {  	[tilespmem:s19], [sflag:$0x1] =	stream.indirect_vreg.gather [hbm4b:s3+s2], $0x80, v3, vm0, $0xb8;
	[tilespmem:$0x1E980] =	vst v63  }
0x3d: {  	s20 =	simm.s32 $0x2980  }
0x3e: {  	[tilespmem:s20], [sflag:$0x1] =	stream.indirect_vreg.gather [hbm4b:s5+s2], $0x80, v3, vm0, $0xb8;
	[tilespmem:$0x1E980] =	vst v63  }
0x3f: {  	s19 =	simm.s32 $0x3180  }
0x40: {  	[tilespmem:s19], [sflag:$0x1] =	stream.indirect_vreg.gather [hbm4b:s6+s2], $0x80, v3, vm0, $0xb8;
	[tilespmem:$0x1E980] =	vst v63  }
0x41: {  	v3 =	vld [tilespmem:$0x10];
	_ =	sdelay $0x4  }
0x42: {  	v59 =	vshrl.u32 v3, $0x3  }
0x43: {  	v4 =	vmul.u32 $0x30, v59  }
0x44: {  	v3 =	vand.u32 $0x7, v3  }
0x45: {  	v3 =	vor.u32 v3, v4  }
0x46: {  	v4 =	vperm.xlane v3, v0;
	_ =	sdelay $0x1  }
0x47: {  	v4 =	vadd.s32 v1, v4;
	_ =	sdelay $0x3  }
0x48: {  	s20 =	simm.s32 $0x3980;
	v3 =	vperm.xlane v3, v2  }
0x49: {  	[tilespmem:s20], [sflag:$0x1] =	stream.indirect_vreg.gather [hbm4b:s3+s2], $0x80, v4, vm0, $0xb8;
	[tilespmem:$0x1E980] =	vst v63  }
0x4a: {  	s19 =	simm.s32 $0x4180;
	v3 =	vadd.s32 v1, v3  }
0x4b: {  	[tilespmem:s19], [sflag:$0x1] =	stream.indirect_vreg.gather [hbm4b:s5+s2], $0x80, v4, vm0, $0xb8;
	[tilespmem:$0x1E980] =	vst v63  }
0x4c: {  	s20 =	simm.s32 $0x4980  }
0x4d: {  	[tilespmem:s20], [sflag:$0x1] =	stream.indirect_vreg.gather [hbm4b:s6+s2], $0x80, v4, vm0, $0xb8;
	[tilespmem:$0x1E980] =	vst v63  }
0x4e: {  	s19 =	simm.s32 $0x5180  }
0x4f: {  	[tilespmem:s19], [sflag:$0x1] =	stream.indirect_vreg.gather [hbm4b:s3+s2], $0x80, v3, vm0, $0xb8;
	[tilespmem:$0x1E980] =	vst v63  }
0x50: {  	s20 =	simm.s32 $0x5980  }
0x51: {  	[tilespmem:s20], [sflag:$0x1] =	stream.indirect_vreg.gather [hbm4b:s5+s2], $0x80, v3, vm0, $0xb8;
	[tilespmem:$0x1E980] =	vst v63  }
0x52: {  	s19 =	simm.s32 $0x6180  }
0x53: {  	[tilespmem:s19], [sflag:$0x1] =	stream.indirect_vreg.gather [hbm4b:s6+s2], $0x80, v3, vm0, $0xb8;
	[tilespmem:$0x1E980] =	vst v63  }
0x54: {  	v3 =	vld.msk [tilespmem:$0x20], $0xff;
	_ =	sdelay $0x4  }
0x55: {  	v60 =	vshrl.u32 v3, $0x3  }
0x56: {  	v4 =	vmul.u32 $0x30, v60  }
0x57: {  	v3 =	vand.u32 $0x7, v3  }
0x58: {  	v3 =	vor.u32 v3, v4  }
0x59: {  	v3 =	vperm.xlane v3, v0;
	_ =	sdelay $0x1  }
0x5a: {  	v3 =	vadd.s32 v1, v3;
	_ =	sdelay $0x3  }
0x5b: {  	s20 =	simm.s32 $0x6980  }
0x5c: {  	[tilespmem:s20], [sflag:$0x1] =	stream.indirect_vreg.gather [hbm4b:s3+s2], $0x80, v3, vm0, $0xb8;
	[tilespmem:$0x1E980] =	vst v63  }
0x5d: {  	s19 =	simm.s32 $0x7180  }
0x5e: {  	[tilespmem:s19], [sflag:$0x1] =	stream.indirect_vreg.gather [hbm4b:s5+s2], $0x80, v3, vm0, $0xb8;
	[tilespmem:$0x1E980] =	vst v63  }
0x5f: {  	s20 =	simm.s32 $0x7980  }
0x60: {  	[tilespmem:s20], [sflag:$0x1] =	stream.indirect_vreg.gather [hbm4b:s6+s2], $0x80, v3, vm0, $0xb8;
	[tilespmem:$0x1E980] =	vst v63  }
0x61: {  	v3 =	vld [tilespmem:$0x28];
	_ =	sdelay $0x4  }
0x62: {  	v61 =	vshrl.u32 v3, $0x3  }
0x63: {  	v4 =	vmul.u32 $0x30, v61  }
0x64: {  	v3 =	vand.u32 $0x7, v3  }
0x65: {  	v3 =	vor.u32 v3, v4  }
0x66: {  	v4 =	vperm.xlane v3, v0;
	_ =	sdelay $0x1  }
0x67: {  	v4 =	vadd.s32 v1, v4;
	_ =	sdelay $0x3  }
0x68: {  	v3 =	vperm.xlane v3, v2  }
0x69: {  	[tilespmem:s29], [sflag:$0x2] =	stream.indirect_vreg.gather [hbm4b:s3+s2], $0x80, v4, vm0, $0xb8;
	[tilespmem:$0x1E980] =	vst v63  }
0x6a: {  	s19 =	simm.s32 $0x8980;
	v3 =	vadd.s32 v1, v3  }
0x6b: {  	[tilespmem:s19], [sflag:$0x2] =	stream.indirect_vreg.gather [hbm4b:s5+s2], $0x80, v4, vm0, $0xb8;
	[tilespmem:$0x1E980] =	vst v63  }
0x6c: {  	s20 =	simm.s32 $0x9180  }
0x6d: {  	[tilespmem:s20], [sflag:$0x2] =	stream.indirect_vreg.gather [hbm4b:s6+s2], $0x80, v4, vm0, $0xb8;
	[tilespmem:$0x1E980] =	vst v63  }
0x6e: {  	s19 =	simm.s32 $0x9980  }
0x6f: {  	[tilespmem:s19], [sflag:$0x2] =	stream.indirect_vreg.gather [hbm4b:s3+s2], $0x80, v3, vm0, $0xb8;
	[tilespmem:$0x1E980] =	vst v63  }
0x70: {  	s20 =	simm.s32 $0xA180  }
0x71: {  	[tilespmem:s20], [sflag:$0x2] =	stream.indirect_vreg.gather [hbm4b:s5+s2], $0x80, v3, vm0, $0xb8;
	[tilespmem:$0x1E980] =	vst v63  }
0x72: {  	s19 =	simm.s32 $0xA980  }
0x73: {  	[tilespmem:s19], [sflag:$0x2] =	stream.indirect_vreg.gather [hbm4b:s6+s2], $0x80, v3, vm0, $0xb8;
	[tilespmem:$0x1E980] =	vst v63  }
0x74: {  	v3 =	vld [tilespmem:$0x38];
	_ =	sdelay $0x4  }
0x75: {  	v62 =	vshrl.u32 v3, $0x3  }
0x76: {  	v4 =	vmul.u32 $0x30, v62  }
0x77: {  	v3 =	vand.u32 $0x7, v3  }
0x78: {  	v3 =	vor.u32 v3, v4  }
0x79: {  	v4 =	vperm.xlane v3, v0;
	_ =	sdelay $0x1  }
0x7a: {  	v4 =	vadd.s32 v1, v4;
	_ =	sdelay $0x3  }
0x7b: {  	s20 =	simm.s32 $0xB180;
	v3 =	vperm.xlane v3, v2  }
0x7c: {  	[tilespmem:s20], [sflag:$0x2] =	stream.indirect_vreg.gather [hbm4b:s3+s2], $0x80, v4, vm0, $0xb8;
	[tilespmem:$0x1E980] =	vst v63  }
0x7d: {  	s19 =	simm.s32 $0xB980;
	v3 =	vadd.s32 v1, v3  }
0x7e: {  	[tilespmem:s19], [sflag:$0x2] =	stream.indirect_vreg.gather [hbm4b:s5+s2], $0x80, v4, vm0, $0xb8;
	[tilespmem:$0x1E980] =	vst v63  }
0x7f: {  	s20 =	simm.s32 $0xC180  }
0x80: {  	[tilespmem:s20], [sflag:$0x2] =	stream.indirect_vreg.gather [hbm4b:s6+s2], $0x80, v4, vm0, $0xb8;
	[tilespmem:$0x1E980] =	vst v63  }
0x81: {  	s19 =	simm.s32 $0xC980  }
0x82: {  	[tilespmem:s19], [sflag:$0x2] =	stream.indirect_vreg.gather [hbm4b:s3+s2], $0x80, v3, vm0, $0xb8;
	[tilespmem:$0x1E980] =	vst v63  }
0x83: {  	s20 =	simm.s32 $0xD180  }
0x84: {  	[tilespmem:s20], [sflag:$0x2] =	stream.indirect_vreg.gather [hbm4b:s5+s2], $0x80, v3, vm0, $0xb8;
	[tilespmem:$0x1E980] =	vst v63  }
0x85: {  	s19 =	simm.s32 $0xD980  }
0x86: {  	[tilespmem:s19], [sflag:$0x2] =	stream.indirect_vreg.gather [hbm4b:s6+s2], $0x80, v3, vm0, $0xb8;
	[tilespmem:$0x1E980] =	vst v63  }
0x87: {  	v3 =	vld.msk [tilespmem:$0x48], $0xff;
	_ =	sdelay $0x4  }
0x88: {  	v63 =	vshrl.u32 v3, $0x3  }
0x89: {  	v4 =	vmul.u32 $0x30, v63  }
0x8a: {  	v3 =	vand.u32 $0x7, v3  }
0x8b: {  	v3 =	vor.u32 v3, v4  }
0x8c: {  	v3 =	vperm.xlane v3, v0;
	_ =	sdelay $0x1  }
0x8d: {  	v3 =	vadd.s32 v1, v3;
	_ =	sdelay $0x3  }
0x8e: {  	s20 =	simm.s32 $0xE180  }
0x8f: {  	[tilespmem:s20], [sflag:$0x2] =	stream.indirect_vreg.gather [hbm4b:s3+s2], $0x80, v3, vm0, $0xb8;
	[tilespmem:$0x1E980] =	vst v63  }
.Ltmp2:
0x90: {  	_ = 	snop;
	(pc) =	sbr.rel .LBB2_2-.Ltmp2, $4  }
0x91: {  	s19 =	simm.s32 $0xE980  }
0x92: {  	[tilespmem:s19], [sflag:$0x2] =	stream.indirect_vreg.gather [hbm4b:s5+s2], $0x80, v3, vm0, $0xb8;
	[tilespmem:$0x1E980] =	vst v63  }
0x93: {  	s18 =	simm.s32 $0x78;
	s20 =	simm.s32 $0xF180;
	s19 =	simm.s32 $0x0  }
0x94: {  	[tilespmem:s20], [sflag:$0x2] =	stream.indirect_vreg.gather [hbm4b:s6+s2], $0x80, v3, vm0, $0xb8;
	[tilespmem:$0x1E980] =	vst v63  }
.LBB2_6:
0x95: {  	s20 =	sadd.s32 s19, s9;
	s19 =	sadd.s32 $0x3C00, s19  }
0x96: {  	p0 =	sne.s32 s19, $0x38400  }
.Ltmp3:
0x97: {  	_ = 	snop;
	(pc) =	sbr.rel @!p0 .LBB2_7-.Ltmp3, $4  }
0x98: {  	_ =	swait.ge [sflag:s12], $0x7800  }
0x99: {  	[sflag:s12] =	ssyncset.done $0x0  }
0x9a: {  	s18 =	sadd.s32 $0xA0, s18;
	[sflag:s12] =	ssyncadd.s32 $0xFFFF8800  }
0x9b: {  	[hbm4b:s20+s2] =	stream.linear.scatter [tilespmem:s16], [sflag:$0x8], $0x7800, $0x38;
	[tilespmem:$0x1E980] =	vst v63  }
.LBB2_2:
0x9c: {  	p0 =	seq.s32 s19, $0x0  }
0x9d: {  	s20 =	simm.s32 @!p0 $0x7  }
0x9e: {  	_ =	swait.ge @!p0 [sflag:s20], $0x7800  }
0x9f: {  	[sflag:s20] =	ssyncset.done @!p0 $0x0  }
0xa0: {  	[sflag:s20] =	ssyncadd.s32 @!p0 $0xFFFF8800  }
0xa1: {  	v3 =	vld [tilespmem:s18+$0xFFFFFFD8];
	_ =	sdelay $0x4  }
0xa2: {  	v4 =	vshrl.u32 v3, $0x3  }
0xa3: {  	v4 =	vmul.u32 $0x30, v4  }
0xa4: {  	v3 =	vand.u32 $0x7, v3  }
0xa5: {  	v3 =	vor.u32 v3, v4  }
0xa6: {  	v4 =	vperm.xlane v3, v0;
	_ =	sdelay $0x1  }
0xa7: {  	v4 =	vadd.s32 v1, v4;
	_ =	sdelay $0x3  }
0xa8: {  	v3 =	vperm.xlane v3, v2  }
0xa9: {  	[tilespmem:s21], [sflag:$0x3] =	stream.indirect_vreg.gather [hbm4b:s3+s2], $0x80, v4, vm0, $0xb8;
	[tilespmem:$0x1E980] =	vst v63  }
0xaa: {  	s20 =	simm.s32 $0x10180;
	v3 =	vadd.s32 v1, v3  }
0xab: {  	[tilespmem:s20], [sflag:$0x3] =	stream.indirect_vreg.gather [hbm4b:s5+s2], $0x80, v4, vm0, $0xb8;
	[tilespmem:$0x1E980] =	vst v63  }
0xac: {  	s20 =	simm.s32 $0x10980  }
0xad: {  	[tilespmem:s20], [sflag:$0x3] =	stream.indirect_vreg.gather [hbm4b:s6+s2], $0x80, v4, vm0, $0xb8;
	[tilespmem:$0x1E980] =	vst v63  }
0xae: {  	s20 =	simm.s32 $0x11180  }
0xaf: {  	[tilespmem:s20], [sflag:$0x3] =	stream.indirect_vreg.gather [hbm4b:s3+s2], $0x80, v3, vm0, $0xb8;
	[tilespmem:$0x1E980] =	vst v63  }
0xb0: {  	s20 =	simm.s32 $0x11980  }
0xb1: {  	[tilespmem:s20], [sflag:$0x3] =	stream.indirect_vreg.gather [hbm4b:s5+s2], $0x80, v3, vm0, $0xb8;
	[tilespmem:$0x1E980] =	vst v63  }
0xb2: {  	s20 =	simm.s32 $0x12180  }
0xb3: {  	[tilespmem:s20], [sflag:$0x3] =	stream.indirect_vreg.gather [hbm4b:s6+s2], $0x80, v3, vm0, $0xb8;
	[tilespmem:$0x1E980] =	vst v63  }
0xb4: {  	v3 =	vld [tilespmem:s18+$0xFFFFFFE8];
	_ =	sdelay $0x4  }
0xb5: {  	v59 =	vshrl.u32 v3, $0x3  }
0xb6: {  	v4 =	vmul.u32 $0x30, v59  }
0xb7: {  	v3 =	vand.u32 $0x7, v3  }
0xb8: {  	v3 =	vor.u32 v3, v4  }
0xb9: {  	v4 =	vperm.xlane v3, v0;
	_ =	sdelay $0x1  }
0xba: {  	v4 =	vadd.s32 v1, v4;
	_ =	sdelay $0x3  }
0xbb: {  	s20 =	simm.s32 $0x12980;
	v3 =	vperm.xlane v3, v2  }
0xbc: {  	[tilespmem:s20], [sflag:$0x3] =	stream.indirect_vreg.gather [hbm4b:s3+s2], $0x80, v4, vm0, $0xb8;
	[tilespmem:$0x1E980] =	vst v63  }
0xbd: {  	v3 =	vadd.s32 v1, v3;
	s20 =	simm.s32 $0x13180  }
0xbe: {  	[tilespmem:s20], [sflag:$0x3] =	stream.indirect_vreg.gather [hbm4b:s5+s2], $0x80, v4, vm0, $0xb8;
	[tilespmem:$0x1E980] =	vst v63  }
0xbf: {  	s20 =	simm.s32 $0x13980  }
0xc0: {  	[tilespmem:s20], [sflag:$0x3] =	stream.indirect_vreg.gather [hbm4b:s6+s2], $0x80, v4, vm0, $0xb8;
	[tilespmem:$0x1E980] =	vst v63  }
0xc1: {  	s20 =	simm.s32 $0x14180  }
0xc2: {  	[tilespmem:s20], [sflag:$0x3] =	stream.indirect_vreg.gather [hbm4b:s3+s2], $0x80, v3, vm0, $0xb8;
	[tilespmem:$0x1E980] =	vst v63  }
0xc3: {  	s20 =	simm.s32 $0x14980  }
0xc4: {  	[tilespmem:s20], [sflag:$0x3] =	stream.indirect_vreg.gather [hbm4b:s5+s2], $0x80, v3, vm0, $0xb8;
	[tilespmem:$0x1E980] =	vst v63  }
0xc5: {  	s20 =	simm.s32 $0x15180  }
0xc6: {  	[tilespmem:s20], [sflag:$0x3] =	stream.indirect_vreg.gather [hbm4b:s6+s2], $0x80, v3, vm0, $0xb8;
	[tilespmem:$0x1E980] =	vst v63  }
0xc7: {  	v3 =	vld.msk [tilespmem:s18+$0xFFFFFFF8], $0xff;
	_ =	sdelay $0x4  }
0xc8: {  	v60 =	vshrl.u32 v3, $0x3  }
0xc9: {  	v4 =	vmul.u32 $0x30, v60  }
0xca: {  	v3 =	vand.u32 $0x7, v3  }
0xcb: {  	v3 =	vor.u32 v3, v4  }
0xcc: {  	v3 =	vperm.xlane v3, v0;
	_ =	sdelay $0x1  }
0xcd: {  	v3 =	vadd.s32 v1, v3;
	_ =	sdelay $0x3  }
0xce: {  	s20 =	simm.s32 $0x15980  }
0xcf: {  	[tilespmem:s20], [sflag:$0x3] =	stream.indirect_vreg.gather [hbm4b:s3+s2], $0x80, v3, vm0, $0xb8;
	[tilespmem:$0x1E980] =	vst v63  }
0xd0: {  	s20 =	simm.s32 $0x16180  }
0xd1: {  	[tilespmem:s20], [sflag:$0x3] =	stream.indirect_vreg.gather [hbm4b:s5+s2], $0x80, v3, vm0, $0xb8;
	[tilespmem:$0x1E980] =	vst v63  }
0xd2: {  	s20 =	simm.s32 $0x16980  }
0xd3: {  	[tilespmem:s20], [sflag:$0x3] =	stream.indirect_vreg.gather [hbm4b:s6+s2], $0x80, v3, vm0, $0xb8;
	[tilespmem:$0x1E980] =	vst v63  }
0xd4: {  	_ =	swait.ge [sflag:s15], $0x7800  }
0xd5: {  	[sflag:s15] =	ssyncset.done $0x0  }
0xd6: {  	s20 =	sadd.s32 s19, s10;
	[sflag:s15] =	ssyncadd.s32 $0xFFFF8800  }
0xd7: {  	[hbm4b:s20+s2] =	stream.linear.scatter [tilespmem:s13], [sflag:$0x5], $0x7800, $0x38;
	[tilespmem:$0x1E980] =	vst v63  }
0xd8: {  	s20 =	simm.s32 @!p0 $0x8  }
0xd9: {  	_ =	swait.ge @!p0 [sflag:s20], $0x7800  }
0xda: {  	[sflag:s20] =	ssyncset.done @!p0 $0x0  }
0xdb: {  	[sflag:s20] =	ssyncadd.s32 @!p0 $0xFFFF8800  }
0xdc: {  	v3 =	vld [tilespmem:s18+$0x0];
	_ =	sdelay $0x4  }
0xdd: {  	v61 =	vshrl.u32 v3, $0x3  }
0xde: {  	v4 =	vmul.u32 $0x30, v61  }
0xdf: {  	v3 =	vand.u32 $0x7, v3  }
0xe0: {  	v3 =	vor.u32 v3, v4  }
0xe1: {  	v4 =	vperm.xlane v3, v0;
	_ =	sdelay $0x1  }
0xe2: {  	v4 =	vadd.s32 v1, v4;
	_ =	sdelay $0x3  }
0xe3: {  	v3 =	vperm.xlane v3, v2  }
0xe4: {  	[tilespmem:s16], [sflag:$0x4] =	stream.indirect_vreg.gather [hbm4b:s3+s2], $0x80, v4, vm0, $0xb8;
	[tilespmem:$0x1E980] =	vst v63  }
0xe5: {  	s20 =	simm.s32 $0x17980;
	v3 =	vadd.s32 v1, v3  }
0xe6: {  	[tilespmem:s20], [sflag:$0x4] =	stream.indirect_vreg.gather [hbm4b:s5+s2], $0x80, v4, vm0, $0xb8;
	[tilespmem:$0x1E980] =	vst v63  }
0xe7: {  	s20 =	simm.s32 $0x18180  }
0xe8: {  	[tilespmem:s20], [sflag:$0x4] =	stream.indirect_vreg.gather [hbm4b:s6+s2], $0x80, v4, vm0, $0xb8;
	[tilespmem:$0x1E980] =	vst v63  }
0xe9: {  	s20 =	simm.s32 $0x18980  }
0xea: {  	[tilespmem:s20], [sflag:$0x4] =	stream.indirect_vreg.gather [hbm4b:s3+s2], $0x80, v3, vm0, $0xb8;
	[tilespmem:$0x1E980] =	vst v63  }
0xeb: {  	s20 =	simm.s32 $0x19180  }
0xec: {  	[tilespmem:s20], [sflag:$0x4] =	stream.indirect_vreg.gather [hbm4b:s5+s2], $0x80, v3, vm0, $0xb8;
	[tilespmem:$0x1E980] =	vst v63  }
0xed: {  	_ = 	snop  }
0xee: {  	[tilespmem:s22], [sflag:$0x4] =	stream.indirect_vreg.gather [hbm4b:s6+s2], $0x80, v3, vm0, $0xb8;
	[tilespmem:$0x1E980] =	vst v63  }
0xef: {  	v3 =	vld [tilespmem:s18+$0x10];
	_ =	sdelay $0x4  }
0xf0: {  	v62 =	vshrl.u32 v3, $0x3  }
0xf1: {  	v4 =	vmul.u32 $0x30, v62  }
0xf2: {  	v3 =	vand.u32 $0x7, v3  }
0xf3: {  	v3 =	vor.u32 v3, v4  }
0xf4: {  	v4 =	vperm.xlane v3, v0;
	_ =	sdelay $0x1  }
0xf5: {  	v4 =	vadd.s32 v1, v4;
	_ =	sdelay $0x3  }
0xf6: {  	v3 =	vperm.xlane v3, v2  }
0xf7: {  	[tilespmem:s23], [sflag:$0x4] =	stream.indirect_vreg.gather [hbm4b:s3+s2], $0x80, v4, vm0, $0xb8;
	[tilespmem:$0x1E980] =	vst v63  }
0xf8: {  	v3 =	vadd.s32 v1, v3  }
0xf9: {  	[tilespmem:s24], [sflag:$0x4] =	stream.indirect_vreg.gather [hbm4b:s5+s2], $0x80, v4, vm0, $0xb8;
	[tilespmem:$0x1E980] =	vst v63  }
0xfa: {  	_ = 	snop  }
0xfb: {  	[tilespmem:s25], [sflag:$0x4] =	stream.indirect_vreg.gather [hbm4b:s6+s2], $0x80, v4, vm0, $0xb8;
	[tilespmem:$0x1E980] =	vst v63  }
0xfc: {  	_ = 	snop  }
0xfd: {  	[tilespmem:s26], [sflag:$0x4] =	stream.indirect_vreg.gather [hbm4b:s3+s2], $0x80, v3, vm0, $0xb8;
	[tilespmem:$0x1E980] =	vst v63  }
0xfe: {  	_ = 	snop  }
0xff: {  	[tilespmem:s28], [sflag:$0x4] =	stream.indirect_vreg.gather [hbm4b:s5+s2], $0x80, v3, vm0, $0xb8;
	[tilespmem:$0x1E980] =	vst v63  }
0x100: {  	_ = 	snop  }
0x101: {  	[tilespmem:s30], [sflag:$0x4] =	stream.indirect_vreg.gather [hbm4b:s6+s2], $0x80, v3, vm0, $0xb8;
	[tilespmem:$0x1E980] =	vst v63  }
0x102: {  	v3 =	vld.msk [tilespmem:s18+$0x20], $0xff;
	_ =	sdelay $0x4  }
0x103: {  	v63 =	vshrl.u32 v3, $0x3  }
0x104: {  	v4 =	vmul.u32 $0x30, v63  }
0x105: {  	v3 =	vand.u32 $0x7, v3  }
0x106: {  	v3 =	vor.u32 v3, v4  }
0x107: {  	v3 =	vperm.xlane v3, v0;
	_ =	sdelay $0x1  }
0x108: {  	v3 =	vadd.s32 v1, v3;
	_ =	sdelay $0x4  }
0x109: {  	[tilespmem:s31], [sflag:$0x4] =	stream.indirect_vreg.gather [hbm4b:s3+s2], $0x80, v3, vm0, $0xb8;
	[tilespmem:$0x1E980] =	vst v63  }
0x10a: {  	_ = 	snop  }
0x10b: {  	[tilespmem:s1], [sflag:$0x4] =	stream.indirect_vreg.gather [hbm4b:s5+s2], $0x80, v3, vm0, $0xb8;
	[tilespmem:$0x1E980] =	vst v63  }
0x10c: {  	p0 =	seq.s32 s19, $0x34800  }
0x10d: {  	[tilespmem:s0], [sflag:$0x4] =	stream.indirect_vreg.gather [hbm4b:s6+s2], $0x80, v3, vm0, $0xb8;
	[tilespmem:$0x1E980] =	vst v63  }
.Ltmp4:
0x10e: {  	_ = 	snop;
	(pc) =	sbr.rel @p0 .LBB2_4-.Ltmp4, $4  }
0x10f: {  	_ =	swait.ge [sflag:s4], $0x7800  }
0x110: {  	[sflag:s4] =	ssyncset.done $0x0  }
0x111: {  	s20 =	sadd.s32 s19, s11;
	[sflag:s4] =	ssyncadd.s32 $0xFFFF8800  }
0x112: {  	[hbm4b:s20+s2] =	stream.linear.scatter [tilespmem:s29], [sflag:$0x6], $0x7800, $0x38;
	[tilespmem:$0x1E980] =	vst v63  }
0x113: {  	_ =	swait.ge [sflag:s14], $0x7800  }
0x114: {  	[sflag:s14] =	ssyncset.done $0x0  }
0x115: {  	[sflag:s14] =	ssyncadd.s32 $0xFFFF8800  }
0x116: {  	v3 =	vld [tilespmem:s18+$0x28];
	_ =	sdelay $0x4  }
0x117: {  	v4 =	vshrl.u32 v3, $0x3  }
0x118: {  	v4 =	vmul.u32 $0x30, v4  }
0x119: {  	v3 =	vand.u32 $0x7, v3  }
0x11a: {  	v3 =	vor.u32 v3, v4  }
0x11b: {  	v4 =	vperm.xlane v3, v0;
	_ =	sdelay $0x1  }
0x11c: {  	v4 =	vadd.s32 v1, v4;
	_ =	sdelay $0x3  }
0x11d: {  	v3 =	vperm.xlane v3, v2  }
0x11e: {  	[tilespmem:s13], [sflag:$0x1] =	stream.indirect_vreg.gather [hbm4b:s3+s2], $0x80, v4, vm0, $0xb8;
	[tilespmem:$0x1E980] =	vst v63  }
0x11f: {  	s20 =	simm.s32 $0x1180;
	v3 =	vadd.s32 v1, v3  }
0x120: {  	[tilespmem:s20], [sflag:$0x1] =	stream.indirect_vreg.gather [hbm4b:s5+s2], $0x80, v4, vm0, $0xb8;
	[tilespmem:$0x1E980] =	vst v63  }
0x121: {  	s20 =	simm.s32 $0x1980  }
0x122: {  	[tilespmem:s20], [sflag:$0x1] =	stream.indirect_vreg.gather [hbm4b:s6+s2], $0x80, v4, vm0, $0xb8;
	[tilespmem:$0x1E980] =	vst v63  }
0x123: {  	s20 =	simm.s32 $0x2180  }
0x124: {  	[tilespmem:s20], [sflag:$0x1] =	stream.indirect_vreg.gather [hbm4b:s3+s2], $0x80, v3, vm0, $0xb8;
	[tilespmem:$0x1E980] =	vst v63  }
0x125: {  	s20 =	simm.s32 $0x2980  }
0x126: {  	[tilespmem:s20], [sflag:$0x1] =	stream.indirect_vreg.gather [hbm4b:s5+s2], $0x80, v3, vm0, $0xb8;
	[tilespmem:$0x1E980] =	vst v63  }
0x127: {  	s20 =	simm.s32 $0x3180  }
0x128: {  	[tilespmem:s20], [sflag:$0x1] =	stream.indirect_vreg.gather [hbm4b:s6+s2], $0x80, v3, vm0, $0xb8;
	[tilespmem:$0x1E980] =	vst v63  }
0x129: {  	v3 =	vld [tilespmem:s18+$0x38];
	_ =	sdelay $0x4  }
0x12a: {  	v62 =	vshrl.u32 v3, $0x3  }
0x12b: {  	v4 =	vmul.u32 $0x30, v62  }
0x12c: {  	v3 =	vand.u32 $0x7, v3  }
0x12d: {  	v3 =	vor.u32 v3, v4  }
0x12e: {  	v4 =	vperm.xlane v3, v0;
	_ =	sdelay $0x1  }
0x12f: {  	v4 =	vadd.s32 v1, v4;
	_ =	sdelay $0x3  }
0x130: {  	s20 =	simm.s32 $0x3980;
	v3 =	vperm.xlane v3, v2  }
0x131: {  	[tilespmem:s20], [sflag:$0x1] =	stream.indirect_vreg.gather [hbm4b:s3+s2], $0x80, v4, vm0, $0xb8;
	[tilespmem:$0x1E980] =	vst v63  }
0x132: {  	v3 =	vadd.s32 v1, v3;
	s20 =	simm.s32 $0x4180  }
0x133: {  	[tilespmem:s20], [sflag:$0x1] =	stream.indirect_vreg.gather [hbm4b:s5+s2], $0x80, v4, vm0, $0xb8;
	[tilespmem:$0x1E980] =	vst v63  }
0x134: {  	s20 =	simm.s32 $0x4980  }
0x135: {  	[tilespmem:s20], [sflag:$0x1] =	stream.indirect_vreg.gather [hbm4b:s6+s2], $0x80, v4, vm0, $0xb8;
	[tilespmem:$0x1E980] =	vst v63  }
0x136: {  	s20 =	simm.s32 $0x5180  }
0x137: {  	[tilespmem:s20], [sflag:$0x1] =	stream.indirect_vreg.gather [hbm4b:s3+s2], $0x80, v3, vm0, $0xb8;
	[tilespmem:$0x1E980] =	vst v63  }
0x138: {  	s20 =	simm.s32 $0x5980  }
0x139: {  	[tilespmem:s20], [sflag:$0x1] =	stream.indirect_vreg.gather [hbm4b:s5+s2], $0x80, v3, vm0, $0xb8;
	[tilespmem:$0x1E980] =	vst v63  }
0x13a: {  	s20 =	simm.s32 $0x6180  }
0x13b: {  	[tilespmem:s20], [sflag:$0x1] =	stream.indirect_vreg.gather [hbm4b:s6+s2], $0x80, v3, vm0, $0xb8;
	[tilespmem:$0x1E980] =	vst v63  }
0x13c: {  	v3 =	vld.msk [tilespmem:s18+$0x48], $0xff;
	_ =	sdelay $0x4  }
0x13d: {  	v63 =	vshrl.u32 v3, $0x3  }
0x13e: {  	v4 =	vmul.u32 $0x30, v63  }
0x13f: {  	v3 =	vand.u32 $0x7, v3  }
0x140: {  	v3 =	vor.u32 v3, v4  }
0x141: {  	v3 =	vperm.xlane v3, v0;
	_ =	sdelay $0x1  }
0x142: {  	v3 =	vadd.s32 v1, v3;
	_ =	sdelay $0x3  }
0x143: {  	s20 =	simm.s32 $0x6980  }
0x144: {  	[tilespmem:s20], [sflag:$0x1] =	stream.indirect_vreg.gather [hbm4b:s3+s2], $0x80, v3, vm0, $0xb8;
	[tilespmem:$0x1E980] =	vst v63  }
0x145: {  	s20 =	simm.s32 $0x7180  }
0x146: {  	[tilespmem:s20], [sflag:$0x1] =	stream.indirect_vreg.gather [hbm4b:s5+s2], $0x80, v3, vm0, $0xb8;
	[tilespmem:$0x1E980] =	vst v63  }
0x147: {  	s20 =	simm.s32 $0x7980  }
0x148: {  	[tilespmem:s20], [sflag:$0x1] =	stream.indirect_vreg.gather [hbm4b:s6+s2], $0x80, v3, vm0, $0xb8;
	[tilespmem:$0x1E980] =	vst v63  }
.LBB2_4:
.Ltmp5:
0x149: {  	(pc) =	sbr.rel @p0 .LBB2_6-.Ltmp5, $4  }
0x14a: {  	_ =	swait.ge [sflag:s7], $0x7800  }
0x14b: {  	[sflag:s7] =	ssyncset.done $0x0  }
0x14c: {  	s20 =	sadd.s32 s19, s8;
	[sflag:s7] =	ssyncadd.s32 $0xFFFF8800  }
0x14d: {  	[hbm4b:s20+s2] =	stream.linear.scatter [tilespmem:s21], [sflag:$0x7], $0x7800, $0x38;
	[tilespmem:$0x1E980] =	vst v63  }
0x14e: {  	_ =	swait.ge [sflag:s17], $0x7800  }
0x14f: {  	[sflag:s17] =	ssyncset.done $0x0  }
0x150: {  	[sflag:s17] =	ssyncadd.s32 $0xFFFF8800  }
0x151: {  	v3 =	vld [tilespmem:s18+$0x50];
	_ =	sdelay $0x4  }
0x152: {  	v4 =	vshrl.u32 v3, $0x3  }
0x153: {  	v4 =	vmul.u32 $0x30, v4  }
0x154: {  	v3 =	vand.u32 $0x7, v3  }
0x155: {  	v3 =	vor.u32 v3, v4  }
0x156: {  	v4 =	vperm.xlane v3, v0;
	_ =	sdelay $0x1  }
0x157: {  	v4 =	vadd.s32 v1, v4;
	_ =	sdelay $0x3  }
0x158: {  	v3 =	vperm.xlane v3, v2  }
0x159: {  	[tilespmem:s29], [sflag:$0x2] =	stream.indirect_vreg.gather [hbm4b:s3+s2], $0x80, v4, vm0, $0xb8;
	[tilespmem:$0x1E980] =	vst v63  }
0x15a: {  	s20 =	simm.s32 $0x8980;
	v3 =	vadd.s32 v1, v3  }
0x15b: {  	[tilespmem:s20], [sflag:$0x2] =	stream.indirect_vreg.gather [hbm4b:s5+s2], $0x80, v4, vm0, $0xb8;
	[tilespmem:$0x1E980] =	vst v63  }
0x15c: {  	s20 =	simm.s32 $0x9180  }
0x15d: {  	[tilespmem:s20], [sflag:$0x2] =	stream.indirect_vreg.gather [hbm4b:s6+s2], $0x80, v4, vm0, $0xb8;
	[tilespmem:$0x1E980] =	vst v63  }
0x15e: {  	s20 =	simm.s32 $0x9980  }
0x15f: {  	[tilespmem:s20], [sflag:$0x2] =	stream.indirect_vreg.gather [hbm4b:s3+s2], $0x80, v3, vm0, $0xb8;
	[tilespmem:$0x1E980] =	vst v63  }
0x160: {  	s20 =	simm.s32 $0xA180  }
0x161: {  	[tilespmem:s20], [sflag:$0x2] =	stream.indirect_vreg.gather [hbm4b:s5+s2], $0x80, v3, vm0, $0xb8;
	[tilespmem:$0x1E980] =	vst v63  }
0x162: {  	s20 =	simm.s32 $0xA980  }
0x163: {  	[tilespmem:s20], [sflag:$0x2] =	stream.indirect_vreg.gather [hbm4b:s6+s2], $0x80, v3, vm0, $0xb8;
	[tilespmem:$0x1E980] =	vst v63  }
0x164: {  	v3 =	vld [tilespmem:s18+$0x60];
	_ =	sdelay $0x4  }
0x165: {  	v62 =	vshrl.u32 v3, $0x3  }
0x166: {  	v4 =	vmul.u32 $0x30, v62  }
0x167: {  	v3 =	vand.u32 $0x7, v3  }
0x168: {  	v3 =	vor.u32 v3, v4  }
0x169: {  	v4 =	vperm.xlane v3, v0;
	_ =	sdelay $0x1  }
0x16a: {  	v4 =	vadd.s32 v1, v4;
	_ =	sdelay $0x3  }
0x16b: {  	s20 =	simm.s32 $0xB180;
	v3 =	vperm.xlane v3, v2  }
0x16c: {  	[tilespmem:s20], [sflag:$0x2] =	stream.indirect_vreg.gather [hbm4b:s3+s2], $0x80, v4, vm0, $0xb8;
	[tilespmem:$0x1E980] =	vst v63  }
0x16d: {  	v3 =	vadd.s32 v1, v3;
	s20 =	simm.s32 $0xB980  }
0x16e: {  	[tilespmem:s20], [sflag:$0x2] =	stream.indirect_vreg.gather [hbm4b:s5+s2], $0x80, v4, vm0, $0xb8;
	[tilespmem:$0x1E980] =	vst v63  }
0x16f: {  	s20 =	simm.s32 $0xC180  }
0x170: {  	[tilespmem:s20], [sflag:$0x2] =	stream.indirect_vreg.gather [hbm4b:s6+s2], $0x80, v4, vm0, $0xb8;
	[tilespmem:$0x1E980] =	vst v63  }
0x171: {  	s20 =	simm.s32 $0xC980  }
0x172: {  	[tilespmem:s20], [sflag:$0x2] =	stream.indirect_vreg.gather [hbm4b:s3+s2], $0x80, v3, vm0, $0xb8;
	[tilespmem:$0x1E980] =	vst v63  }
0x173: {  	s20 =	simm.s32 $0xD180  }
0x174: {  	[tilespmem:s20], [sflag:$0x2] =	stream.indirect_vreg.gather [hbm4b:s5+s2], $0x80, v3, vm0, $0xb8;
	[tilespmem:$0x1E980] =	vst v63  }
0x175: {  	s20 =	simm.s32 $0xD980  }
0x176: {  	[tilespmem:s20], [sflag:$0x2] =	stream.indirect_vreg.gather [hbm4b:s6+s2], $0x80, v3, vm0, $0xb8;
	[tilespmem:$0x1E980] =	vst v63  }
0x177: {  	v3 =	vld.msk [tilespmem:s18+$0x70], $0xff;
	_ =	sdelay $0x4  }
0x178: {  	v63 =	vshrl.u32 v3, $0x3  }
0x179: {  	v4 =	vmul.u32 $0x30, v63  }
0x17a: {  	v3 =	vand.u32 $0x7, v3  }
0x17b: {  	v3 =	vor.u32 v3, v4  }
0x17c: {  	v3 =	vperm.xlane v3, v0;
	_ =	sdelay $0x1  }
0x17d: {  	v3 =	vadd.s32 v1, v3;
	_ =	sdelay $0x3  }
0x17e: {  	s20 =	simm.s32 $0xE180  }
0x17f: {  	[tilespmem:s20], [sflag:$0x2] =	stream.indirect_vreg.gather [hbm4b:s3+s2], $0x80, v3, vm0, $0xb8;
	[tilespmem:$0x1E980] =	vst v63  }
.Ltmp6:
0x180: {  	_ = 	snop;
	(pc) =	sbr.rel .LBB2_6-.Ltmp6, $4  }
0x181: {  	s20 =	simm.s32 $0xE980  }
0x182: {  	[tilespmem:s20], [sflag:$0x2] =	stream.indirect_vreg.gather [hbm4b:s5+s2], $0x80, v3, vm0, $0xb8;
	[tilespmem:$0x1E980] =	vst v63  }
0x183: {  	s20 =	simm.s32 $0xF180  }
0x184: {  	[tilespmem:s20], [sflag:$0x2] =	stream.indirect_vreg.gather [hbm4b:s6+s2], $0x80, v3, vm0, $0xb8;
	[tilespmem:$0x1E980] =	vst v63  }
.LBB2_8:
0x185: {  	_ =	sfence.sel $0x180000  }
0x186: {  	[bflag:$0x0] =	sbarrier.arrive $0xFFFF  }
0x187: {  	_ =	strace $0x90000047  }
0x188: {  	s0 =	stileid.u32;
	[bflag:$0x2] =	sbarrier.arrive $0xFFFF  }
0x189: {  	p0 =	sne.s32 s0, $0x0;
	s0 =	rddreg [dreg:$0x2]  }
0x18a: {  	s0 =	sadd.s32 @!p0 $0x100000, s0  }
0x18b: {  	[sflag:s0] =	ssyncadd.tile.s32 @!p0 $0x1;
	_ =	shalt  }
.Lfunc_end2:
_tile_overlayer_lowered:
.L_overlay_start_2:
0x18c: {  	(tag) =	ssettag $0x2  }
0x18d: {  	s0 =	rddreg [dreg:$0x0];
	s2 =	stileid.u32  }
0x18e: {  	s1 =	rddreg [dreg:$0x1];
	p0 =	sne.s32 s2, $0x0  }
0x18f: {  	s3 =	rddreg [dreg:$0x2];
	[bflag:$0x3] =	sbarrier.arrive $0xFFFF;
	s2 =	simm.s32 @!p0 $0x1C09  }
0x190: {  	[timem:s3], [sflag:s2] =	dma.local @!p0 [hbm:s0], s1  }
0x191: {  	s0 =	simm.s32 @!p0 $0x9  }
0x192: {  	_ =	swait.ge @!p0 [sflag:s0], s1  }
0x193: {  	s1 =	ssub.s32 @!p0 $0x0, s1;
	[sflag:s0] =	ssyncset.done @!p0 $0x0  }
0x194: {  	[sflag:s0] =	ssyncadd.s32 @!p0 s1  }
0x195: {  	[bflag:$0x3] =	sbarrier.arrive $0xFFFF  }
0x196: {  	_ =	shalt  }

</sc_bundles>
